<compile_context>
chip_gen: v7x
topology: tpu7x:2x2x1
jax: 0.10.2.dev20260603
libtpu: 0.0.44.dev20260713+nightly
codegen_flags: <defaults>
</compile_context>

<pallas_src>
import functools

import jax
import jax.numpy as jnp
from jax import lax
from jax.experimental import pallas as pl
from jax.experimental.pallas import tpu as pltpu
from jax.experimental.pallas import tpu_sc as plsc

N = 10000
NPAD = 10240
E = 320000
H = 128

NC = 2
NS = 16
NW = NC * NS
EPW = E // NW
C = 80
NCHUNK = EPW // C
RPT = NPAD // NS

_mesh = plsc.VectorSubcoreMesh(core_axis_name="c", subcore_axis_name="s",
                               num_cores=NC, num_subcores=NS)


def _deg_body(dst_hbm, out_hbm, dst_v, ones_v, zbuf, acc):
    cid = lax.axis_index("c")
    sid = lax.axis_index("s")
    wid = sid * NC + cid

    zero16 = jnp.zeros((16,), jnp.float32)
    one16 = jnp.ones((16,), jnp.float32)

    def fill(r, _):
        for c in range(H // 16):
            zbuf[r, pl.ds(c * 16, 16)] = zero16
        return 0

    lax.fori_loop(0, 128, fill, 0)

    def fill1(r, _):
        for c in range(H // 16):
            ones_v[r, pl.ds(c * 16, 16)] = one16
        return 0

    lax.fori_loop(0, C, fill1, 0)

    for k in range(RPT // 128):
        pltpu.sync_copy(zbuf, acc.at[pl.ds(sid * RPT + k * 128, 128)])
    plsc.subcore_barrier()

    ebase = wid * EPW

    def body(i, _):
        pltpu.sync_copy(dst_hbm.at[pl.ds(ebase + i * C, C)], dst_v)
        pltpu.sync_copy(ones_v, acc.at[dst_v], add=True)
        return 0

    lax.fori_loop(0, NCHUNK, body, 0)
    plsc.subcore_barrier()
    pltpu.sync_copy(acc.at[pl.ds(sid * RPT, RPT)],
                    out_hbm.at[cid, pl.ds(sid * RPT, RPT)])


def _agg_body(g_hbm, src_hbm, dst_hbm, out_hbm,
              src_v, dst_v, rows_v, zbuf, acc, sem):
    cid = lax.axis_index("c")
    sid = lax.axis_index("s")
    wid = sid * NC + cid

    zero16 = jnp.zeros((16,), jnp.float32)

    def fill(r, _):
        for c in range(H // 16):
            zbuf[r, pl.ds(c * 16, 16)] = zero16
        return 0

    lax.fori_loop(0, 128, fill, 0)
    for k in range(RPT // 128):
        pltpu.sync_copy(zbuf, acc.at[pl.ds(sid * RPT + k * 128, 128)])
    plsc.subcore_barrier()

    ebase = wid * EPW

    def body(i, _):
        off = ebase + i * C
        pltpu.sync_copy(src_hbm.at[pl.ds(off, C)], src_v)
        pltpu.sync_copy(dst_hbm.at[pl.ds(off, C)], dst_v)
        pltpu.async_copy(g_hbm.at[src_v], rows_v, sem).wait()
        pltpu.sync_copy(rows_v, acc.at[dst_v], add=True)
        return 0

    lax.fori_loop(0, NCHUNK, body, 0)
    plsc.subcore_barrier()
    pltpu.sync_copy(acc.at[pl.ds(sid * RPT, RPT)],
                    out_hbm.at[cid, pl.ds(sid * RPT, RPT)])


def _make_deg_kernel(interpret=False):
    return pl.kernel(
        _deg_body,
        out_type=jax.ShapeDtypeStruct((NC, NPAD, H), jnp.float32),
        mesh=_mesh,
        scratch_types=[
            pltpu.VMEM((C,), jnp.int32),
            pltpu.VMEM((C, H), jnp.float32),
            pltpu.VMEM((128, H), jnp.float32),
            pltpu.VMEM_SHARED((NPAD, H), jnp.float32),
        ],
        interpret=interpret,
    )


def _make_agg_kernel(interpret=False):
    return pl.kernel(
        _agg_body,
        out_type=jax.ShapeDtypeStruct((NC, NPAD, H), jnp.float32),
        mesh=_mesh,
        scratch_types=[
            pltpu.VMEM((C,), jnp.int32),
            pltpu.VMEM((C,), jnp.int32),
            pltpu.VMEM((C, H), jnp.float32),
            pltpu.VMEM((128, H), jnp.float32),
            pltpu.VMEM_SHARED((NPAD, H), jnp.float32),
            pltpu.SemaphoreType.DMA,
        ],
        interpret=interpret,
    )


_deg_kernel = _make_deg_kernel()
_agg_kernel = _make_agg_kernel()


RB = 1000


def _tc0_body(deg_ref, x_ref, w_ref, g_ref, dinv_ref):
    deg = deg_ref[0, :, 0] + deg_ref[1, :, 0]
    dinv = lax.rsqrt(jnp.maximum(deg, 1.0))
    h0 = jnp.dot(x_ref[...], w_ref[...], preferred_element_type=jnp.float32)
    g_ref[...] = h0 * dinv[:, None]
    dinv_ref[...] = dinv[:, None]


def _tc0(deg, x, w):
    return pl.pallas_call(
        _tc0_body,
        grid=(N // RB,),
        in_specs=[
            pl.BlockSpec((NC, RB, H), lambda i: (0, i, 0)),
            pl.BlockSpec((RB, H), lambda i: (i, 0)),
            pl.BlockSpec((H, H), lambda i: (0, 0)),
        ],
        out_specs=[
            pl.BlockSpec((RB, H), lambda i: (i, 0)),
            pl.BlockSpec((RB, 1), lambda i: (i, 0)),
        ],
        out_shape=[
            jax.ShapeDtypeStruct((N, H), jnp.float32),
            jax.ShapeDtypeStruct((N, 1), jnp.float32),
        ],
    )(deg, x, w)


def _tc_layer_body(scale_out, p_ref, dinv_ref, w_ref, b_ref, out_ref):
    t = (p_ref[0] + p_ref[1]) * dinv_ref[...]
    h = jnp.dot(t, w_ref[...], preferred_element_type=jnp.float32)
    h = jnp.maximum(h + b_ref[...], 0.0)
    if scale_out:
        h = h * dinv_ref[...]
    out_ref[...] = h


def _tc_layer(p, dinv, w, b, scale_out):
    return pl.pallas_call(
        functools.partial(_tc_layer_body, scale_out),
        grid=(N // RB,),
        in_specs=[
            pl.BlockSpec((NC, RB, H), lambda i: (0, i, 0)),
            pl.BlockSpec((RB, 1), lambda i: (i, 0)),
            pl.BlockSpec((H, H), lambda i: (0, 0)),
            pl.BlockSpec((1, H), lambda i: (0, 0)),
        ],
        out_specs=pl.BlockSpec((RB, H), lambda i: (i, 0)),
        out_shape=jax.ShapeDtypeStruct((N, H), jnp.float32),
    )(p, dinv, w, b)


def kernel(x, edge_index, W_init, W1, b1, W2, b2, W3, b3):
    src = edge_index[0]
    dst = edge_index[1]
    degp = _deg_kernel(dst)
    g, dinv = _tc0(degp, x, W_init)
    for w, b, scale_out in ((W1, b1, True), (W2, b2, True), (W3, b3, False)):
        p = _agg_kernel(g, src, dst)
        g = _tc_layer(p, dinv, w, b.reshape(1, H), scale_out)
    return g

# --- scband reference (transcript-rebuilt; emitter-appended) ---
"""Pipeline reference for scband-m3-lnet-34943853920349 (READ-ONLY COPY).

The authoritative reference and input builder live on the scoring server;
editing this copy changes nothing except your own understanding.
"""

import jax, jax.numpy as jnp
import numpy as np

N = 10000   # n_nodes
E = 320000  # n_edges
D = 128     # NODE_IN_FEATS
H = 128     # hidden feats per GCN layer (HIDDEN_LAYERS = [128,128,128])


def setup_inputs(seed: int = 0) -> dict:
    key = jax.random.key(seed)
    ks = jax.random.split(key, 12)
    x = jax.random.normal(ks[0], (N, D), dtype=jnp.float32)
    edge_index = jax.random.randint(ks[1], (2, E), 0, N, dtype=jnp.int32)
    # learned parameters: init_transform (Linear, bias=False) + 3 GCN layers
    s = 1.0 / np.sqrt(D)
    W_init = jax.random.uniform(ks[2], (D, H), dtype=jnp.float32, minval=-s, maxval=s)
    sh = 1.0 / np.sqrt(H)
    W1 = jax.random.uniform(ks[3], (H, H), dtype=jnp.float32, minval=-sh, maxval=sh)
    b1 = jnp.zeros((H,), dtype=jnp.float32)
    W2 = jax.random.uniform(ks[4], (H, H), dtype=jnp.float32, minval=-sh, maxval=sh)
    b2 = jnp.zeros((H,), dtype=jnp.float32)
    W3 = jax.random.uniform(ks[5], (H, H), dtype=jnp.float32, minval=-sh, maxval=sh)
    b3 = jnp.zeros((H,), dtype=jnp.float32)
    return {"x": x, "edge_index": edge_index, "W_init": W_init,
            "W1": W1, "b1": b1, "W2": W2, "b2": b2, "W3": W3, "b3": b3}


def _gcn_layer(h, src, dst, edge_norm, W, b):
    # message = normalized gather from src nodes; aggregate = scatter-add to dst
    msg = h[src] * edge_norm[:, None]
    agg = jax.ops.segment_sum(msg, dst, num_segments=N)
    return jax.nn.relu(agg @ W + b)


def reference(x, edge_index, W_init, W1, b1, W2, b2, W3, b3):
    src = edge_index[0]
    dst = edge_index[1]
    # symmetric GCN normalization 1/sqrt(deg_src * deg_dst)
    deg = jax.ops.segment_sum(jnp.ones((E,), dtype=jnp.float32), dst, num_segments=N)
    deg = jnp.clip(deg, 1.0, None)
    edge_norm = jax.lax.rsqrt(deg[src] * deg[dst])
    # init_transform: Linear(in_feats -> dim_embedding), no bias
    h = x @ W_init
    # gnn1: 3-layer GCN (MolecularGCN main branch)
    h = _gcn_layer(h, src, dst, edge_norm, W1, b1)
    h = _gcn_layer(h, src, dst, edge_norm, W2, b2)
    h = _gcn_layer(h, src, dst, edge_norm, W3, b3)
    return h

if __name__ == "__main__":
    import jax
    _d = setup_inputs()
    print(jax.jit(kernel)(*tuple(_d.values())))

</pallas_src>

<mosaic_0001>
#map = affine_map<(d0, d1) -> (0, 0)>
#map1 = affine_map<(d0, d1) -> (0)>
#map2 = affine_map<(d0, d1) -> (0, 0, 0)>
module attributes {stable_mosaic.version = 14 : i64} {
  func.func @_agg_body(%arg0: i32, %arg1: i32, %arg2: memref<10000x128xf32, #tpu.memory_space<hbm>>, %arg3: memref<320000xi32, #tpu.memory_space<hbm>>, %arg4: memref<320000xi32, #tpu.memory_space<hbm>>, %arg5: memref<2x10240x128xf32, #tpu.memory_space<hbm>>, %arg6: memref<80xi32, #tpu.memory_space<vmem>>, %arg7: memref<80xi32, #tpu.memory_space<vmem>>, %arg8: memref<80x128xf32, #tpu.memory_space<vmem>>, %arg9: memref<128x128xf32, #tpu.memory_space<vmem>>, %arg10: memref<10240x128xf32, #tpu.memory_space<vmem_shared>>, %arg11: memref<!tpu.dma_semaphore, #tpu.memory_space<semaphore_mem>>) attributes {dimension_semantics = [#tpu.dimension_semantics<core_parallel>, #tpu.dimension_semantics<subcore_parallel>], iteration_bounds = array<i64: 2, 16>, scalar_prefetch = 0 : i64, scratch_operands = 6 : i64, tpu.core_type = #tpu.core_type<sc_vector_subcore>, window_params = [{transform_indices = #map}, {transform_indices = #map1}, {transform_indices = #map1}, {transform_indices = #map2}]} {
    %mul3A = arith.constant 2 : i32
    %mul3A_0 = arith.muli %arg1, %mul3A : i32
    %add3A = arith.addi %mul3A_0, %arg0 : i32
    %broadcast_in_dim3A = arith.constant 0.000000e+00 : f32
    %broadcast_in_dim3A_1 = vector.broadcast %broadcast_in_dim3A : f32 to vector<16xf32>
    %scan3A = arith.constant 0 : i32
    %scan3A_2 = arith.constant 0 : i32
    %scan3A_3 = arith.constant 128 : i32
    %scan3A_4 = arith.addi %scan3A_2, %scan3A_3 : i32
    %scan3A_5 = arith.constant 1 : i32
    %scan3A_6 = scf.for %scan3A_42 = %scan3A_2 to %scan3A_4 step %scan3A_5 iter_args(%scan3A_43 = %scan3A) -> (i32)  : i32 {
      %swap3A = arith.index_cast %scan3A_42 : i32 to index
      %swap3A_44 = arith.constant 0 : index
      %swap3A_45 = tpu.vector_load %arg9[%swap3A, %swap3A_44] {strides = array<i32>} : memref<128x128xf32, #tpu.memory_space<vmem>>, vector<1x16xf32>,
      %swap3A_46 = vector.shape_cast %swap3A_45 : vector<1x16xf32> to vector<16xf32>
      %swap3A_47 = vector.shape_cast %broadcast_in_dim3A_1 : vector<16xf32> to vector<1x16xf32>
      tpu.vector_store %arg9[%swap3A, %swap3A_44], %swap3A_47 {strides = array<i32>} : memref<128x128xf32, #tpu.memory_space<vmem>>, vector<1x16xf32>,
      %swap3A_48 = arith.index_cast %scan3A_42 : i32 to index
      %swap3A_49 = arith.constant 16 : index
      %swap3A_50 = tpu.vector_load %arg9[%swap3A_48, %swap3A_49] {strides = array<i32>} : memref<128x128xf32, #tpu.memory_space<vmem>>, vector<1x16xf32>,
      %swap3A_51 = vector.shape_cast %swap3A_50 : vector<1x16xf32> to vector<16xf32>
      %swap3A_52 = vector.shape_cast %broadcast_in_dim3A_1 : vector<16xf32> to vector<1x16xf32>
      tpu.vector_store %arg9[%swap3A_48, %swap3A_49], %swap3A_52 {strides = array<i32>} : memref<128x128xf32, #tpu.memory_space<vmem>>, vector<1x16xf32>,
      %swap3A_53 = arith.index_cast %scan3A_42 : i32 to index
      %swap3A_54 = arith.constant 32 : index
      %swap3A_55 = tpu.vector_load %arg9[%swap3A_53, %swap3A_54] {strides = array<i32>} : memref<128x128xf32, #tpu.memory_space<vmem>>, vector<1x16xf32>,
      %swap3A_56 = vector.shape_cast %swap3A_55 : vector<1x16xf32> to vector<16xf32>
      %swap3A_57 = vector.shape_cast %broadcast_in_dim3A_1 : vector<16xf32> to vector<1x16xf32>
      tpu.vector_store %arg9[%swap3A_53, %swap3A_54], %swap3A_57 {strides = array<i32>} : memref<128x128xf32, #tpu.memory_space<vmem>>, vector<1x16xf32>,
      %swap3A_58 = arith.index_cast %scan3A_42 : i32 to index
      %swap3A_59 = arith.constant 48 : index
      %swap3A_60 = tpu.vector_load %arg9[%swap3A_58, %swap3A_59] {strides = array<i32>} : memref<128x128xf32, #tpu.memory_space<vmem>>, vector<1x16xf32>,
      %swap3A_61 = vector.shape_cast %swap3A_60 : vector<1x16xf32> to vector<16xf32>
      %swap3A_62 = vector.shape_cast %broadcast_in_dim3A_1 : vector<16xf32> to vector<1x16xf32>
      tpu.vector_store %arg9[%swap3A_58, %swap3A_59], %swap3A_62 {strides = array<i32>} : memref<128x128xf32, #tpu.memory_space<vmem>>, vector<1x16xf32>,
      %swap3A_63 = arith.index_cast %scan3A_42 : i32 to index
      %swap3A_64 = arith.constant 64 : index
      %swap3A_65 = tpu.vector_load %arg9[%swap3A_63, %swap3A_64] {strides = array<i32>} : memref<128x128xf32, #tpu.memory_space<vmem>>, vector<1x16xf32>,
      %swap3A_66 = vector.shape_cast %swap3A_65 : vector<1x16xf32> to vector<16xf32>
      %swap3A_67 = vector.shape_cast %broadcast_in_dim3A_1 : vector<16xf32> to vector<1x16xf32>
      tpu.vector_store %arg9[%swap3A_63, %swap3A_64], %swap3A_67 {strides = array<i32>} : memref<128x128xf32, #tpu.memory_space<vmem>>, vector<1x16xf32>,
      %swap3A_68 = arith.index_cast %scan3A_42 : i32 to index
      %swap3A_69 = arith.constant 80 : index
      %swap3A_70 = tpu.vector_load %arg9[%swap3A_68, %swap3A_69] {strides = array<i32>} : memref<128x128xf32, #tpu.memory_space<vmem>>, vector<1x16xf32>,
      %swap3A_71 = vector.shape_cast %swap3A_70 : vector<1x16xf32> to vector<16xf32>
      %swap3A_72 = vector.shape_cast %broadcast_in_dim3A_1 : vector<16xf32> to vector<1x16xf32>
      tpu.vector_store %arg9[%swap3A_68, %swap3A_69], %swap3A_72 {strides = array<i32>} : memref<128x128xf32, #tpu.memory_space<vmem>>, vector<1x16xf32>,
      %swap3A_73 = arith.index_cast %scan3A_42 : i32 to index
      %swap3A_74 = arith.constant 96 : index
      %swap3A_75 = tpu.vector_load %arg9[%swap3A_73, %swap3A_74] {strides = array<i32>} : memref<128x128xf32, #tpu.memory_space<vmem>>, vector<1x16xf32>,
      %swap3A_76 = vector.shape_cast %swap3A_75 : vector<1x16xf32> to vector<16xf32>
      %swap3A_77 = vector.shape_cast %broadcast_in_dim3A_1 : vector<16xf32> to vector<1x16xf32>
      tpu.vector_store %arg9[%swap3A_73, %swap3A_74], %swap3A_77 {strides = array<i32>} : memref<128x128xf32, #tpu.memory_space<vmem>>, vector<1x16xf32>,
      %swap3A_78 = arith.index_cast %scan3A_42 : i32 to index
      %swap3A_79 = arith.constant 112 : index
      %swap3A_80 = tpu.vector_load %arg9[%swap3A_78, %swap3A_79] {strides = array<i32>} : memref<128x128xf32, #tpu.memory_space<vmem>>, vector<1x16xf32>,
      %swap3A_81 = vector.shape_cast %swap3A_80 : vector<1x16xf32> to vector<16xf32>
      %swap3A_82 = vector.shape_cast %broadcast_in_dim3A_1 : vector<16xf32> to vector<1x16xf32>
      tpu.vector_store %arg9[%swap3A_78, %swap3A_79], %swap3A_82 {strides = array<i32>} : memref<128x128xf32, #tpu.memory_space<vmem>>, vector<1x16xf32>,
      %scan3A_83 = arith.constant 0 : i32
      scf.yield %scan3A_83 : i32
    }
    %scan3A_7 = arith.constant 128 : i32
    %mul3A_8 = arith.constant 640 : i32
    %mul3A_9 = arith.muli %arg1, %mul3A_8 : i32
    %add3A_10 = arith.constant 0 : i32
    %add3A_11 = arith.addi %mul3A_9, %add3A_10 : i32
    "tpu.region"() ({
      %run_scoped3A = tpu.sem_alloc : memref<!tpu.dma_semaphore, #tpu.memory_space<semaphore_mem>>
      %dma_start3A = arith.constant 0 : i32
      %dma_start3A_42 = tpu.memref_slice %arg10[%add3A_11, %dma_start3A] : memref<10240x128xf32, #tpu.memory_space<vmem_shared>> -> memref<128x128xf32, #tpu.memory_space<vmem_shared>>
      %dma_start3A_43 = arith.constant 0 : i32
      %dma_start3A_44 = tpu.memref_slice %arg10[%add3A_11, %dma_start3A_43] : memref<10240x128xf32, #tpu.memory_space<vmem_shared>> -> memref<128x128xf32, #tpu.memory_space<vmem_shared>>
      tpu.enqueue_dma source(%arg9 : memref<128x128xf32, #tpu.memory_space<vmem>>) target(%dma_start3A_44 : memref<128x128xf32, #tpu.memory_space<vmem_shared>>) target_semaphore(%run_scoped3A : memref<!tpu.dma_semaphore, #tpu.memory_space<semaphore_mem>>)
      %dma_wait3A = arith.constant 0 : i32
      %dma_wait3A_45 = tpu.memref_slice %arg10[%add3A_11, %dma_wait3A] : memref<10240x128xf32, #tpu.memory_space<vmem_shared>> -> memref<128x128xf32, #tpu.memory_space<vmem_shared>>
      %dma_wait3A_46 = arith.constant 0 : i32
      %dma_wait3A_47 = tpu.memref_slice %arg10[%add3A_11, %dma_wait3A_46] : memref<10240x128xf32, #tpu.memory_space<vmem_shared>> -> memref<128x128xf32, #tpu.memory_space<vmem_shared>>
      tpu.wait_dma2 semaphore(%run_scoped3A : memref<!tpu.dma_semaphore, #tpu.memory_space<semaphore_mem>>) src(%arg9 : memref<128x128xf32, #tpu.memory_space<vmem>>) dst(%dma_wait3A_47 : memref<128x128xf32, #tpu.memory_space<vmem_shared>>)
      tpu.yield
    }) : () -> ()
    %mul3A_12 = arith.constant 640 : i32
    %mul3A_13 = arith.muli %arg1, %mul3A_12 : i32
    %add3A_14 = arith.constant 128 : i32
    %add3A_15 = arith.addi %mul3A_13, %add3A_14 : i32
    "tpu.region"() ({
      %run_scoped3A = tpu.sem_alloc : memref<!tpu.dma_semaphore, #tpu.memory_space<semaphore_mem>>
      %dma_start3A = arith.constant 0 : i32
      %dma_start3A_42 = tpu.memref_slice %arg10[%add3A_15, %dma_start3A] : memref<10240x128xf32, #tpu.memory_space<vmem_shared>> -> memref<128x128xf32, #tpu.memory_space<vmem_shared>>
      %dma_start3A_43 = arith.constant 0 : i32
      %dma_start3A_44 = tpu.memref_slice %arg10[%add3A_15, %dma_start3A_43] : memref<10240x128xf32, #tpu.memory_space<vmem_shared>> -> memref<128x128xf32, #tpu.memory_space<vmem_shared>>
      tpu.enqueue_dma source(%arg9 : memref<128x128xf32, #tpu.memory_space<vmem>>) target(%dma_start3A_44 : memref<128x128xf32, #tpu.memory_space<vmem_shared>>) target_semaphore(%run_scoped3A : memref<!tpu.dma_semaphore, #tpu.memory_space<semaphore_mem>>)
      %dma_wait3A = arith.constant 0 : i32
      %dma_wait3A_45 = tpu.memref_slice %arg10[%add3A_15, %dma_wait3A] : memref<10240x128xf32, #tpu.memory_space<vmem_shared>> -> memref<128x128xf32, #tpu.memory_space<vmem_shared>>
      %dma_wait3A_46 = arith.constant 0 : i32
      %dma_wait3A_47 = tpu.memref_slice %arg10[%add3A_15, %dma_wait3A_46] : memref<10240x128xf32, #tpu.memory_space<vmem_shared>> -> memref<128x128xf32, #tpu.memory_space<vmem_shared>>
      tpu.wait_dma2 semaphore(%run_scoped3A : memref<!tpu.dma_semaphore, #tpu.memory_space<semaphore_mem>>) src(%arg9 : memref<128x128xf32, #tpu.memory_space<vmem>>) dst(%dma_wait3A_47 : memref<128x128xf32, #tpu.memory_space<vmem_shared>>)
      tpu.yield
    }) : () -> ()
    %mul3A_16 = arith.constant 640 : i32
    %mul3A_17 = arith.muli %arg1, %mul3A_16 : i32
    %add3A_18 = arith.constant 256 : i32
    %add3A_19 = arith.addi %mul3A_17, %add3A_18 : i32
    "tpu.region"() ({
      %run_scoped3A = tpu.sem_alloc : memref<!tpu.dma_semaphore, #tpu.memory_space<semaphore_mem>>
      %dma_start3A = arith.constant 0 : i32
      %dma_start3A_42 = tpu.memref_slice %arg10[%add3A_19, %dma_start3A] : memref<10240x128xf32, #tpu.memory_space<vmem_shared>> -> memref<128x128xf32, #tpu.memory_space<vmem_shared>>
      %dma_start3A_43 = arith.constant 0 : i32
      %dma_start3A_44 = tpu.memref_slice %arg10[%add3A_19, %dma_start3A_43] : memref<10240x128xf32, #tpu.memory_space<vmem_shared>> -> memref<128x128xf32, #tpu.memory_space<vmem_shared>>
      tpu.enqueue_dma source(%arg9 : memref<128x128xf32, #tpu.memory_space<vmem>>) target(%dma_start3A_44 : memref<128x128xf32, #tpu.memory_space<vmem_shared>>) target_semaphore(%run_scoped3A : memref<!tpu.dma_semaphore, #tpu.memory_space<semaphore_mem>>)
      %dma_wait3A = arith.constant 0 : i32
      %dma_wait3A_45 = tpu.memref_slice %arg10[%add3A_19, %dma_wait3A] : memref<10240x128xf32, #tpu.memory_space<vmem_shared>> -> memref<128x128xf32, #tpu.memory_space<vmem_shared>>
      %dma_wait3A_46 = arith.constant 0 : i32
      %dma_wait3A_47 = tpu.memref_slice %arg10[%add3A_19, %dma_wait3A_46] : memref<10240x128xf32, #tpu.memory_space<vmem_shared>> -> memref<128x128xf32, #tpu.memory_space<vmem_shared>>
      tpu.wait_dma2 semaphore(%run_scoped3A : memref<!tpu.dma_semaphore, #tpu.memory_space<semaphore_mem>>) src(%arg9 : memref<128x128xf32, #tpu.memory_space<vmem>>) dst(%dma_wait3A_47 : memref<128x128xf32, #tpu.memory_space<vmem_shared>>)
      tpu.yield
    }) : () -> ()
    %mul3A_20 = arith.constant 640 : i32
    %mul3A_21 = arith.muli %arg1, %mul3A_20 : i32
    %add3A_22 = arith.constant 384 : i32
    %add3A_23 = arith.addi %mul3A_21, %add3A_22 : i32
    "tpu.region"() ({
      %run_scoped3A = tpu.sem_alloc : memref<!tpu.dma_semaphore, #tpu.memory_space<semaphore_mem>>
      %dma_start3A = arith.constant 0 : i32
      %dma_start3A_42 = tpu.memref_slice %arg10[%add3A_23, %dma_start3A] : memref<10240x128xf32, #tpu.memory_space<vmem_shared>> -> memref<128x128xf32, #tpu.memory_space<vmem_shared>>
      %dma_start3A_43 = arith.constant 0 : i32
      %dma_start3A_44 = tpu.memref_slice %arg10[%add3A_23, %dma_start3A_43] : memref<10240x128xf32, #tpu.memory_space<vmem_shared>> -> memref<128x128xf32, #tpu.memory_space<vmem_shared>>
      tpu.enqueue_dma source(%arg9 : memref<128x128xf32, #tpu.memory_space<vmem>>) target(%dma_start3A_44 : memref<128x128xf32, #tpu.memory_space<vmem_shared>>) target_semaphore(%run_scoped3A : memref<!tpu.dma_semaphore, #tpu.memory_space<semaphore_mem>>)
      %dma_wait3A = arith.constant 0 : i32
      %dma_wait3A_45 = tpu.memref_slice %arg10[%add3A_23, %dma_wait3A] : memref<10240x128xf32, #tpu.memory_space<vmem_shared>> -> memref<128x128xf32, #tpu.memory_space<vmem_shared>>
      %dma_wait3A_46 = arith.constant 0 : i32
      %dma_wait3A_47 = tpu.memref_slice %arg10[%add3A_23, %dma_wait3A_46] : memref<10240x128xf32, #tpu.memory_space<vmem_shared>> -> memref<128x128xf32, #tpu.memory_space<vmem_shared>>
      tpu.wait_dma2 semaphore(%run_scoped3A : memref<!tpu.dma_semaphore, #tpu.memory_space<semaphore_mem>>) src(%arg9 : memref<128x128xf32, #tpu.memory_space<vmem>>) dst(%dma_wait3A_47 : memref<128x128xf32, #tpu.memory_space<vmem_shared>>)
      tpu.yield
    }) : () -> ()
    %mul3A_24 = arith.constant 640 : i32
    %mul3A_25 = arith.muli %arg1, %mul3A_24 : i32
    %add3A_26 = arith.constant 512 : i32
    %add3A_27 = arith.addi %mul3A_25, %add3A_26 : i32
    "tpu.region"() ({
      %run_scoped3A = tpu.sem_alloc : memref<!tpu.dma_semaphore, #tpu.memory_space<semaphore_mem>>
      %dma_start3A = arith.constant 0 : i32
      %dma_start3A_42 = tpu.memref_slice %arg10[%add3A_27, %dma_start3A] : memref<10240x128xf32, #tpu.memory_space<vmem_shared>> -> memref<128x128xf32, #tpu.memory_space<vmem_shared>>
      %dma_start3A_43 = arith.constant 0 : i32
      %dma_start3A_44 = tpu.memref_slice %arg10[%add3A_27, %dma_start3A_43] : memref<10240x128xf32, #tpu.memory_space<vmem_shared>> -> memref<128x128xf32, #tpu.memory_space<vmem_shared>>
      tpu.enqueue_dma source(%arg9 : memref<128x128xf32, #tpu.memory_space<vmem>>) target(%dma_start3A_44 : memref<128x128xf32, #tpu.memory_space<vmem_shared>>) target_semaphore(%run_scoped3A : memref<!tpu.dma_semaphore, #tpu.memory_space<semaphore_mem>>)
      %dma_wait3A = arith.constant 0 : i32
      %dma_wait3A_45 = tpu.memref_slice %arg10[%add3A_27, %dma_wait3A] : memref<10240x128xf32, #tpu.memory_space<vmem_shared>> -> memref<128x128xf32, #tpu.memory_space<vmem_shared>>
      %dma_wait3A_46 = arith.constant 0 : i32
      %dma_wait3A_47 = tpu.memref_slice %arg10[%add3A_27, %dma_wait3A_46] : memref<10240x128xf32, #tpu.memory_space<vmem_shared>> -> memref<128x128xf32, #tpu.memory_space<vmem_shared>>
      tpu.wait_dma2 semaphore(%run_scoped3A : memref<!tpu.dma_semaphore, #tpu.memory_space<semaphore_mem>>) src(%arg9 : memref<128x128xf32, #tpu.memory_space<vmem>>) dst(%dma_wait3A_47 : memref<128x128xf32, #tpu.memory_space<vmem_shared>>)
      tpu.yield
    }) : () -> ()
    %barrier3A = arith.constant 0 : index
    tpu.barrier barrier_id(%barrier3A)
    %mul3A_28 = arith.constant 10000 : i32
    %mul3A_29 = arith.muli %add3A, %mul3A_28 : i32
    %scan3A_30 = arith.constant 0 : i32
    %scan3A_31 = arith.constant 0 : i32
    %scan3A_32 = arith.constant 125 : i32
    %scan3A_33 = arith.addi %scan3A_31, %scan3A_32 : i32
    %scan3A_34 = arith.constant 1 : i32
    %scan3A_35 = scf.for %scan3A_42 = %scan3A_31 to %scan3A_33 step %scan3A_34 iter_args(%scan3A_43 = %scan3A_30) -> (i32)  : i32 {
      %mul3A_44 = arith.constant 80 : i32
      %mul3A_45 = arith.muli %scan3A_42, %mul3A_44 : i32
      %add3A_46 = arith.addi %mul3A_29, %mul3A_45 : i32
      "tpu.region"() ({
        %run_scoped3A = tpu.sem_alloc : memref<!tpu.dma_semaphore, #tpu.memory_space<semaphore_mem>>
        %dma_start3A_52 = tpu.memref_slice %arg3[%add3A_46] : memref<320000xi32, #tpu.memory_space<hbm>> -> memref<80xi32, #tpu.memory_space<hbm>>
        %dma_start3A_53 = tpu.memref_slice %arg3[%add3A_46] : memref<320000xi32, #tpu.memory_space<hbm>> -> memref<80xi32, #tpu.memory_space<hbm>>
        tpu.enqueue_dma source(%dma_start3A_53 : memref<80xi32, #tpu.memory_space<hbm>>) target(%arg6 : memref<80xi32, #tpu.memory_space<vmem>>) target_semaphore(%run_scoped3A : memref<!tpu.dma_semaphore, #tpu.memory_space<semaphore_mem>>)
        %dma_wait3A_54 = tpu.memref_slice %arg3[%add3A_46] : memref<320000xi32, #tpu.memory_space<hbm>> -> memref<80xi32, #tpu.memory_space<hbm>>
        %dma_wait3A_55 = tpu.memref_slice %arg3[%add3A_46] : memref<320000xi32, #tpu.memory_space<hbm>> -> memref<80xi32, #tpu.memory_space<hbm>>
        tpu.wait_dma2 semaphore(%run_scoped3A : memref<!tpu.dma_semaphore, #tpu.memory_space<semaphore_mem>>) src(%dma_wait3A_55 : memref<80xi32, #tpu.memory_space<hbm>>) dst(%arg6 : memref<80xi32, #tpu.memory_space<vmem>>)
        tpu.yield
      }) : () -> ()
      "tpu.region"() ({
        %run_scoped3A = tpu.sem_alloc : memref<!tpu.dma_semaphore, #tpu.memory_space<semaphore_mem>>
        %dma_start3A_52 = tpu.memref_slice %arg4[%add3A_46] : memref<320000xi32, #tpu.memory_space<hbm>> -> memref<80xi32, #tpu.memory_space<hbm>>
        %dma_start3A_53 = tpu.memref_slice %arg4[%add3A_46] : memref<320000xi32, #tpu.memory_space<hbm>> -> memref<80xi32, #tpu.memory_space<hbm>>
        tpu.enqueue_dma source(%dma_start3A_53 : memref<80xi32, #tpu.memory_space<hbm>>) target(%arg7 : memref<80xi32, #tpu.memory_space<vmem>>) target_semaphore(%run_scoped3A : memref<!tpu.dma_semaphore, #tpu.memory_space<semaphore_mem>>)
        %dma_wait3A_54 = tpu.memref_slice %arg4[%add3A_46] : memref<320000xi32, #tpu.memory_space<hbm>> -> memref<80xi32, #tpu.memory_space<hbm>>
        %dma_wait3A_55 = tpu.memref_slice %arg4[%add3A_46] : memref<320000xi32, #tpu.memory_space<hbm>> -> memref<80xi32, #tpu.memory_space<hbm>>
        tpu.wait_dma2 semaphore(%run_scoped3A : memref<!tpu.dma_semaphore, #tpu.memory_space<semaphore_mem>>) src(%dma_wait3A_55 : memref<80xi32, #tpu.memory_space<hbm>>) dst(%arg7 : memref<80xi32, #tpu.memory_space<vmem>>)
        tpu.yield
      }) : () -> ()
      %dma_start3A = arith.constant 0 : i32
      %dma_start3A_47 = arith.constant 0 : i32
      %dma_start3A_48 = tpu.memref_slice %arg2[%dma_start3A, %dma_start3A_47] : memref<10000x128xf32, #tpu.memory_space<hbm>> -> memref<10000x128xf32, #tpu.memory_space<hbm>>
      tpu.enqueue_indirect_dma source(%dma_start3A_48 : memref<10000x128xf32, #tpu.memory_space<hbm>>) target(%arg8 : memref<80x128xf32, #tpu.memory_space<vmem>>) offsets(%arg6 : memref<80xi32, #tpu.memory_space<vmem>>) semaphore(%arg11 : memref<!tpu.dma_semaphore, #tpu.memory_space<semaphore_mem>>)
      %dma_wait3A = arith.constant 0 : i32
      %dma_wait3A_49 = arith.constant 0 : i32
      %dma_wait3A_50 = tpu.memref_slice %arg2[%dma_wait3A, %dma_wait3A_49] : memref<10000x128xf32, #tpu.memory_space<hbm>> -> memref<10000x128xf32, #tpu.memory_space<hbm>>
      tpu.wait_indirect_dma semaphore(%arg11 : memref<!tpu.dma_semaphore, #tpu.memory_space<semaphore_mem>>) src(%dma_wait3A_50 : memref<10000x128xf32, #tpu.memory_space<hbm>>) dst(%arg8 : memref<80x128xf32, #tpu.memory_space<vmem>>)
      "tpu.region"() ({
        %run_scoped3A = tpu.sem_alloc : memref<!tpu.dma_semaphore, #tpu.memory_space<semaphore_mem>>
        %dma_start3A_52 = arith.constant 0 : i32
        %dma_start3A_53 = arith.constant 0 : i32
        %dma_start3A_54 = tpu.memref_slice %arg10[%dma_start3A_52, %dma_start3A_53] : memref<10240x128xf32, #tpu.memory_space<vmem_shared>> -> memref<10240x128xf32, #tpu.memory_space<vmem_shared>>
        tpu.enqueue_indirect_dma source(%arg8 : memref<80x128xf32, #tpu.memory_space<vmem>>) target(%dma_start3A_54 : memref<10240x128xf32, #tpu.memory_space<vmem_shared>>) offsets(%arg7 : memref<80xi32, #tpu.memory_space<vmem>>) semaphore(%run_scoped3A : memref<!tpu.dma_semaphore, #tpu.memory_space<semaphore_mem>>) {add = true}
        %dma_wait3A_55 = arith.constant 0 : i32
        %dma_wait3A_56 = arith.constant 0 : i32
        %dma_wait3A_57 = tpu.memref_slice %arg10[%dma_wait3A_55, %dma_wait3A_56] : memref<10240x128xf32, #tpu.memory_space<vmem_shared>> -> memref<10240x128xf32, #tpu.memory_space<vmem_shared>>
        tpu.wait_indirect_dma semaphore(%run_scoped3A : memref<!tpu.dma_semaphore, #tpu.memory_space<semaphore_mem>>) src(%arg8 : memref<80x128xf32, #tpu.memory_space<vmem>>) dst(%dma_wait3A_57 : memref<10240x128xf32, #tpu.memory_space<vmem_shared>>)
        tpu.yield
      }) : () -> ()
      %scan3A_51 = arith.constant 0 : i32
      scf.yield %scan3A_51 : i32
    }
    %scan3A_36 = arith.constant 125 : i32
    %barrier3A_37 = arith.constant 0 : index
    tpu.barrier barrier_id(%barrier3A_37)
    %mul3A_38 = arith.constant 640 : i32
    %mul3A_39 = arith.muli %arg1, %mul3A_38 : i32
    %mul3A_40 = arith.constant 640 : i32
    %mul3A_41 = arith.muli %arg1, %mul3A_40 : i32
    "tpu.region"() ({
      %run_scoped3A = tpu.sem_alloc : memref<!tpu.dma_semaphore, #tpu.memory_space<semaphore_mem>>
      %dma_start3A = arith.constant 0 : i32
      %dma_start3A_42 = tpu.memref_slice %arg5[%arg0, %mul3A_41, %dma_start3A] : memref<2x10240x128xf32, #tpu.memory_space<hbm>> -> memref<1x640x128xf32, #tpu.memory_space<hbm>>
      %dma_start3A_43 = tpu.memref_squeeze %dma_start3A_42 : memref<1x640x128xf32, #tpu.memory_space<hbm>> -> memref<640x128xf32, #tpu.memory_space<hbm>>
      %dma_start3A_44 = arith.constant 0 : i32
      %dma_start3A_45 = tpu.memref_slice %arg10[%mul3A_39, %dma_start3A_44] : memref<10240x128xf32, #tpu.memory_space<vmem_shared>> -> memref<640x128xf32, #tpu.memory_space<vmem_shared>>
      tpu.enqueue_dma source(%dma_start3A_45 : memref<640x128xf32, #tpu.memory_space<vmem_shared>>) target(%dma_start3A_43 : memref<640x128xf32, #tpu.memory_space<hbm>>) target_semaphore(%run_scoped3A : memref<!tpu.dma_semaphore, #tpu.memory_space<semaphore_mem>>)
      %dma_wait3A = arith.constant 0 : i32
      %dma_wait3A_46 = tpu.memref_slice %arg5[%arg0, %mul3A_41, %dma_wait3A] : memref<2x10240x128xf32, #tpu.memory_space<hbm>> -> memref<1x640x128xf32, #tpu.memory_space<hbm>>
      %dma_wait3A_47 = tpu.memref_squeeze %dma_wait3A_46 : memref<1x640x128xf32, #tpu.memory_space<hbm>> -> memref<640x128xf32, #tpu.memory_space<hbm>>
      %dma_wait3A_48 = arith.constant 0 : i32
      %dma_wait3A_49 = tpu.memref_slice %arg10[%mul3A_39, %dma_wait3A_48] : memref<10240x128xf32, #tpu.memory_space<vmem_shared>> -> memref<640x128xf32, #tpu.memory_space<vmem_shared>>
      tpu.wait_dma2 semaphore(%run_scoped3A : memref<!tpu.dma_semaphore, #tpu.memory_space<semaphore_mem>>) src(%dma_wait3A_49 : memref<640x128xf32, #tpu.memory_space<vmem_shared>>) dst(%dma_wait3A_47 : memref<640x128xf32, #tpu.memory_space<hbm>>)
      tpu.yield
    }) : () -> ()
    return
  }
}

#map = affine_map<(d0, d1) -> (0, 0)>
#map1 = affine_map<(d0, d1) -> (0)>
#map2 = affine_map<(d0, d1) -> (0, 0, 0)>
module attributes {stable_mosaic.version = 14 : i64} {
  func.func @_agg_body(%arg0: i32, %arg1: i32, %arg2: memref<10000x128xf32, #tpu.memory_space<hbm>>, %arg3: memref<320000xi32, #tpu.memory_space<hbm>>, %arg4: memref<320000xi32, #tpu.memory_space<hbm>>, %arg5: memref<2x10240x128xf32, #tpu.memory_space<hbm>>, %arg6: memref<80xi32, #tpu.memory_space<vmem>>, %arg7: memref<80xi32, #tpu.memory_space<vmem>>, %arg8: memref<80x128xf32, #tpu.memory_space<vmem>>, %arg9: memref<128x128xf32, #tpu.memory_space<vmem>>, %arg10: memref<10240x128xf32, #tpu.memory_space<vmem_shared>>, %arg11: memref<!tpu.dma_semaphore, #tpu.memory_space<semaphore_mem>>) attributes {dimension_semantics = [#tpu.dimension_semantics<core_parallel>, #tpu.dimension_semantics<subcore_parallel>], iteration_bounds = array<i64: 2, 16>, scalar_prefetch = 0 : i64, scratch_operands = 6 : i64, tpu.core_type = #tpu.core_type<sc_vector_subcore>, window_params = [{transform_indices = #map}, {transform_indices = #map1}, {transform_indices = #map1}, {transform_indices = #map2}]} {
    %mul3A = arith.constant 2 : i32
    %mul3A_0 = arith.muli %arg1, %mul3A : i32
    %add3A = arith.addi %mul3A_0, %arg0 : i32
    %broadcast_in_dim3A = arith.constant 0.000000e+00 : f32
    %broadcast_in_dim3A_1 = vector.broadcast %broadcast_in_dim3A : f32 to vector<16xf32>
    %scan3A = arith.constant 0 : i32
    %scan3A_2 = arith.constant 0 : i32
    %scan3A_3 = arith.constant 128 : i32
    %scan3A_4 = arith.addi %scan3A_2, %scan3A_3 : i32
    %scan3A_5 = arith.constant 1 : i32
    %scan3A_6 = scf.for %scan3A_42 = %scan3A_2 to %scan3A_4 step %scan3A_5 iter_args(%scan3A_43 = %scan3A) -> (i32)  : i32 {
      %swap3A = arith.index_cast %scan3A_42 : i32 to index
      %swap3A_44 = arith.constant 0 : index
      %swap3A_45 = tpu.vector_load %arg9[%swap3A, %swap3A_44] {strides = array<i32>} : memref<128x128xf32, #tpu.memory_space<vmem>>, vector<1x16xf32>,
      %swap3A_46 = vector.shape_cast %swap3A_45 : vector<1x16xf32> to vector<16xf32>
      %swap3A_47 = vector.shape_cast %broadcast_in_dim3A_1 : vector<16xf32> to vector<1x16xf32>
      tpu.vector_store %arg9[%swap3A, %swap3A_44], %swap3A_47 {strides = array<i32>} : memref<128x128xf32, #tpu.memory_space<vmem>>, vector<1x16xf32>,
      %swap3A_48 = arith.index_cast %scan3A_42 : i32 to index
      %swap3A_49 = arith.constant 16 : index
      %swap3A_50 = tpu.vector_load %arg9[%swap3A_48, %swap3A_49] {strides = array<i32>} : memref<128x128xf32, #tpu.memory_space<vmem>>, vector<1x16xf32>,
      %swap3A_51 = vector.shape_cast %swap3A_50 : vector<1x16xf32> to vector<16xf32>
      %swap3A_52 = vector.shape_cast %broadcast_in_dim3A_1 : vector<16xf32> to vector<1x16xf32>
      tpu.vector_store %arg9[%swap3A_48, %swap3A_49], %swap3A_52 {strides = array<i32>} : memref<128x128xf32, #tpu.memory_space<vmem>>, vector<1x16xf32>,
      %swap3A_53 = arith.index_cast %scan3A_42 : i32 to index
      %swap3A_54 = arith.constant 32 : index
      %swap3A_55 = tpu.vector_load %arg9[%swap3A_53, %swap3A_54] {strides = array<i32>} : memref<128x128xf32, #tpu.memory_space<vmem>>, vector<1x16xf32>,
      %swap3A_56 = vector.shape_cast %swap3A_55 : vector<1x16xf32> to vector<16xf32>
      %swap3A_57 = vector.shape_cast %broadcast_in_dim3A_1 : vector<16xf32> to vector<1x16xf32>
      tpu.vector_store %arg9[%swap3A_53, %swap3A_54], %swap3A_57 {strides = array<i32>} : memref<128x128xf32, #tpu.memory_space<vmem>>, vector<1x16xf32>,
      %swap3A_58 = arith.index_cast %scan3A_42 : i32 to index
      %swap3A_59 = arith.constant 48 : index
      %swap3A_60 = tpu.vector_load %arg9[%swap3A_58, %swap3A_59] {strides = array<i32>} : memref<128x128xf32, #tpu.memory_space<vmem>>, vector<1x16xf32>,
      %swap3A_61 = vector.shape_cast %swap3A_60 : vector<1x16xf32> to vector<16xf32>
      %swap3A_62 = vector.shape_cast %broadcast_in_dim3A_1 : vector<16xf32> to vector<1x16xf32>
      tpu.vector_store %arg9[%swap3A_58, %swap3A_59], %swap3A_62 {strides = array<i32>} : memref<128x128xf32, #tpu.memory_space<vmem>>, vector<1x16xf32>,
      %swap3A_63 = arith.index_cast %scan3A_42 : i32 to index
      %swap3A_64 = arith.constant 64 : index
      %swap3A_65 = tpu.vector_load %arg9[%swap3A_63, %swap3A_64] {strides = array<i32>} : memref<128x128xf32, #tpu.memory_space<vmem>>, vector<1x16xf32>,
      %swap3A_66 = vector.shape_cast %swap3A_65 : vector<1x16xf32> to vector<16xf32>
      %swap3A_67 = vector.shape_cast %broadcast_in_dim3A_1 : vector<16xf32> to vector<1x16xf32>
      tpu.vector_store %arg9[%swap3A_63, %swap3A_64], %swap3A_67 {strides = array<i32>} : memref<128x128xf32, #tpu.memory_space<vmem>>, vector<1x16xf32>,
      %swap3A_68 = arith.index_cast %scan3A_42 : i32 to index
      %swap3A_69 = arith.constant 80 : index
      %swap3A_70 = tpu.vector_load %arg9[%swap3A_68, %swap3A_69] {strides = array<i32>} : memref<128x128xf32, #tpu.memory_space<vmem>>, vector<1x16xf32>,
      %swap3A_71 = vector.shape_cast %swap3A_70 : vector<1x16xf32> to vector<16xf32>
      %swap3A_72 = vector.shape_cast %broadcast_in_dim3A_1 : vector<16xf32> to vector<1x16xf32>
      tpu.vector_store %arg9[%swap3A_68, %swap3A_69], %swap3A_72 {strides = array<i32>} : memref<128x128xf32, #tpu.memory_space<vmem>>, vector<1x16xf32>,
      %swap3A_73 = arith.index_cast %scan3A_42 : i32 to index
      %swap3A_74 = arith.constant 96 : index
      %swap3A_75 = tpu.vector_load %arg9[%swap3A_73, %swap3A_74] {strides = array<i32>} : memref<128x128xf32, #tpu.memory_space<vmem>>, vector<1x16xf32>,
      %swap3A_76 = vector.shape_cast %swap3A_75 : vector<1x16xf32> to vector<16xf32>
      %swap3A_77 = vector.shape_cast %broadcast_in_dim3A_1 : vector<16xf32> to vector<1x16xf32>
      tpu.vector_store %arg9[%swap3A_73, %swap3A_74], %swap3A_77 {strides = array<i32>} : memref<128x128xf32, #tpu.memory_space<vmem>>, vector<1x16xf32>,
      %swap3A_78 = arith.index_cast %scan3A_42 : i32 to index
      %swap3A_79 = arith.constant 112 : index
      %swap3A_80 = tpu.vector_load %arg9[%swap3A_78, %swap3A_79] {strides = array<i32>} : memref<128x128xf32, #tpu.memory_space<vmem>>, vector<1x16xf32>,
      %swap3A_81 = vector.shape_cast %swap3A_80 : vector<1x16xf32> to vector<16xf32>
      %swap3A_82 = vector.shape_cast %broadcast_in_dim3A_1 : vector<16xf32> to vector<1x16xf32>
      tpu.vector_store %arg9[%swap3A_78, %swap3A_79], %swap3A_82 {strides = array<i32>} : memref<128x128xf32, #tpu.memory_space<vmem>>, vector<1x16xf32>,
      %scan3A_83 = arith.constant 0 : i32
      scf.yield %scan3A_83 : i32
    }
    %scan3A_7 = arith.constant 128 : i32
    %mul3A_8 = arith.constant 640 : i32
    %mul3A_9 = arith.muli %arg1, %mul3A_8 : i32
    %add3A_10 = arith.constant 0 : i32
    %add3A_11 = arith.addi %mul3A_9, %add3A_10 : i32
    "tpu.region"() ({
      %run_scoped3A = tpu.sem_alloc : memref<!tpu.dma_semaphore, #tpu.memory_space<semaphore_mem>>
      %dma_start3A = arith.constant 0 : i32
      %dma_start3A_42 = tpu.memref_slice %arg10[%add3A_11, %dma_start3A] : memref<10240x128xf32, #tpu.memory_space<vmem_shared>> -> memref<128x128xf32, #tpu.memory_space<vmem_shared>>
      %dma_start3A_43 = arith.constant 0 : i32
      %dma_start3A_44 = tpu.memref_slice %arg10[%add3A_11, %dma_start3A_43] : memref<10240x128xf32, #tpu.memory_space<vmem_shared>> -> memref<128x128xf32, #tpu.memory_space<vmem_shared>>
      tpu.enqueue_dma source(%arg9 : memref<128x128xf32, #tpu.memory_space<vmem>>) target(%dma_start3A_44 : memref<128x128xf32, #tpu.memory_space<vmem_shared>>) target_semaphore(%run_scoped3A : memref<!tpu.dma_semaphore, #tpu.memory_space<semaphore_mem>>)
      %dma_wait3A = arith.constant 0 : i32
      %dma_wait3A_45 = tpu.memref_slice %arg10[%add3A_11, %dma_wait3A] : memref<10240x128xf32, #tpu.memory_space<vmem_shared>> -> memref<128x128xf32, #tpu.memory_space<vmem_shared>>
      %dma_wait3A_46 = arith.constant 0 : i32
      %dma_wait3A_47 = tpu.memref_slice %arg10[%add3A_11, %dma_wait3A_46] : memref<10240x128xf32, #tpu.memory_space<vmem_shared>> -> memref<128x128xf32, #tpu.memory_space<vmem_shared>>
      tpu.wait_dma2 semaphore(%run_scoped3A : memref<!tpu.dma_semaphore, #tpu.memory_space<semaphore_mem>>) src(%arg9 : memref<128x128xf32, #tpu.memory_space<vmem>>) dst(%dma_wait3A_47 : memref<128x128xf32, #tpu.memory_space<vmem_shared>>)
      tpu.yield
    }) : () -> ()
    %mul3A_12 = arith.constant 640 : i32
    %mul3A_13 = arith.muli %arg1, %mul3A_12 : i32
    %add3A_14 = arith.constant 128 : i32
    %add3A_15 = arith.addi %mul3A_13, %add3A_14 : i32
    "tpu.region"() ({
      %run_scoped3A = tpu.sem_alloc : memref<!tpu.dma_semaphore, #tpu.memory_space<semaphore_mem>>
      %dma_start3A = arith.constant 0 : i32
      %dma_start3A_42 = tpu.memref_slice %arg10[%add3A_15, %dma_start3A] : memref<10240x128xf32, #tpu.memory_space<vmem_shared>> -> memref<128x128xf32, #tpu.memory_space<vmem_shared>>
      %dma_start3A_43 = arith.constant 0 : i32
      %dma_start3A_44 = tpu.memref_slice %arg10[%add3A_15, %dma_start3A_43] : memref<10240x128xf32, #tpu.memory_space<vmem_shared>> -> memref<128x128xf32, #tpu.memory_space<vmem_shared>>
      tpu.enqueue_dma source(%arg9 : memref<128x128xf32, #tpu.memory_space<vmem>>) target(%dma_start3A_44 : memref<128x128xf32, #tpu.memory_space<vmem_shared>>) target_semaphore(%run_scoped3A : memref<!tpu.dma_semaphore, #tpu.memory_space<semaphore_mem>>)
      %dma_wait3A = arith.constant 0 : i32
      %dma_wait3A_45 = tpu.memref_slice %arg10[%add3A_15, %dma_wait3A] : memref<10240x128xf32, #tpu.memory_space<vmem_shared>> -> memref<128x128xf32, #tpu.memory_space<vmem_shared>>
      %dma_wait3A_46 = arith.constant 0 : i32
      %dma_wait3A_47 = tpu.memref_slice %arg10[%add3A_15, %dma_wait3A_46] : memref<10240x128xf32, #tpu.memory_space<vmem_shared>> -> memref<128x128xf32, #tpu.memory_space<vmem_shared>>
      tpu.wait_dma2 semaphore(%run_scoped3A : memref<!tpu.dma_semaphore, #tpu.memory_space<semaphore_mem>>) src(%arg9 : memref<128x128xf32, #tpu.memory_space<vmem>>) dst(%dma_wait3A_47 : memref<128x128xf32, #tpu.memory_space<vmem_shared>>)
      tpu.yield
    }) : () -> ()
    %mul3A_16 = arith.constant 640 : i32
    %mul3A_17 = arith.muli %arg1, %mul3A_16 : i32
    %add3A_18 = arith.constant 256 : i32
    %add3A_19 = arith.addi %mul3A_17, %add3A_18 : i32
    "tpu.region"() ({
      %run_scoped3A = tpu.sem_alloc : memref<!tpu.dma_semaphore, #tpu.memory_space<semaphore_mem>>
      %dma_start3A = arith.constant 0 : i32
      %dma_start3A_42 = tpu.memref_slice %arg10[%add3A_19, %dma_start3A] : memref<10240x128xf32, #tpu.memory_space<vmem_shared>> -> memref<128x128xf32, #tpu.memory_space<vmem_shared>>
      %dma_start3A_43 = arith.constant 0 : i32
      %dma_start3A_44 = tpu.memref_slice %arg10[%add3A_19, %dma_start3A_43] : memref<10240x128xf32, #tpu.memory_space<vmem_shared>> -> memref<128x128xf32, #tpu.memory_space<vmem_shared>>
      tpu.enqueue_dma source(%arg9 : memref<128x128xf32, #tpu.memory_space<vmem>>) target(%dma_start3A_44 : memref<128x128xf32, #tpu.memory_space<vmem_shared>>) target_semaphore(%run_scoped3A : memref<!tpu.dma_semaphore, #tpu.memory_space<semaphore_mem>>)
      %dma_wait3A = arith.constant 0 : i32
      %dma_wait3A_45 = tpu.memref_slice %arg10[%add3A_19, %dma_wait3A] : memref<10240x128xf32, #tpu.memory_space<vmem_shared>> -> memref<128x128xf32, #tpu.memory_space<vmem_shared>>
      %dma_wait3A_46 = arith.constant 0 : i32
      %dma_wait3A_47 = tpu.memref_slice %arg10[%add3A_19, %dma_wait3A_46] : memref<10240x128xf32, #tpu.memory_space<vmem_shared>> -> memref<128x128xf32, #tpu.memory_space<vmem_shared>>
      tpu.wait_dma2 semaphore(%run_scoped3A : memref<!tpu.dma_semaphore, #tpu.memory_space<semaphore_mem>>) src(%arg9 : memref<128x128xf32, #tpu.memory_space<vmem>>) dst(%dma_wait3A_47 : memref<128x128xf32, #tpu.memory_space<vmem_shared>>)
      tpu.yield
    }) : () -> ()
    %mul3A_20 = arith.constant 640 : i32
    %mul3A_21 = arith.muli %arg1, %mul3A_20 : i32
    %add3A_22 = arith.constant 384 : i32
    %add3A_23 = arith.addi %mul3A_21, %add3A_22 : i32
    "tpu.region"() ({
      %run_scoped3A = tpu.sem_alloc : memref<!tpu.dma_semaphore, #tpu.memory_space<semaphore_mem>>
      %dma_start3A = arith.constant 0 : i32
      %dma_start3A_42 = tpu.memref_slice %arg10[%add3A_23, %dma_start3A] : memref<10240x128xf32, #tpu.memory_space<vmem_shared>> -> memref<128x128xf32, #tpu.memory_space<vmem_shared>>
      %dma_start3A_43 = arith.constant 0 : i32
      %dma_start3A_44 = tpu.memref_slice %arg10[%add3A_23, %dma_start3A_43] : memref<10240x128xf32, #tpu.memory_space<vmem_shared>> -> memref<128x128xf32, #tpu.memory_space<vmem_shared>>
      tpu.enqueue_dma source(%arg9 : memref<128x128xf32, #tpu.memory_space<vmem>>) target(%dma_start3A_44 : memref<128x128xf32, #tpu.memory_space<vmem_shared>>) target_semaphore(%run_scoped3A : memref<!tpu.dma_semaphore, #tpu.memory_space<semaphore_mem>>)
      %dma_wait3A = arith.constant 0 : i32
      %dma_wait3A_45 = tpu.memref_slice %arg10[%add3A_23, %dma_wait3A] : memref<10240x128xf32, #tpu.memory_space<vmem_shared>> -> memref<128x128xf32, #tpu.memory_space<vmem_shared>>
      %dma_wait3A_46 = arith.constant 0 : i32
      %dma_wait3A_47 = tpu.memref_slice %arg10[%add3A_23, %dma_wait3A_46] : memref<10240x128xf32, #tpu.memory_space<vmem_shared>> -> memref<128x128xf32, #tpu.memory_space<vmem_shared>>
      tpu.wait_dma2 semaphore(%run_scoped3A : memref<!tpu.dma_semaphore, #tpu.memory_space<semaphore_mem>>) src(%arg9 : memref<128x128xf32, #tpu.memory_space<vmem>>) dst(%dma_wait3A_47 : memref<128x128xf32, #tpu.memory_space<vmem_shared>>)
      tpu.yield
    }) : () -> ()
    %mul3A_24 = arith.constant 640 : i32
    %mul3A_25 = arith.muli %arg1, %mul3A_24 : i32
    %add3A_26 = arith.constant 512 : i32
    %add3A_27 = arith.addi %mul3A_25, %add3A_26 : i32
    "tpu.region"() ({
      %run_scoped3A = tpu.sem_alloc : memref<!tpu.dma_semaphore, #tpu.memory_space<semaphore_mem>>
      %dma_start3A = arith.constant 0 : i32
      %dma_start3A_42 = tpu.memref_slice %arg10[%add3A_27, %dma_start3A] : memref<10240x128xf32, #tpu.memory_space<vmem_shared>> -> memref<128x128xf32, #tpu.memory_space<vmem_shared>>
      %dma_start3A_43 = arith.constant 0 : i32
      %dma_start3A_44 = tpu.memref_slice %arg10[%add3A_27, %dma_start3A_43] : memref<10240x128xf32, #tpu.memory_space<vmem_shared>> -> memref<128x128xf32, #tpu.memory_space<vmem_shared>>
      tpu.enqueue_dma source(%arg9 : memref<128x128xf32, #tpu.memory_space<vmem>>) target(%dma_start3A_44 : memref<128x128xf32, #tpu.memory_space<vmem_shared>>) target_semaphore(%run_scoped3A : memref<!tpu.dma_semaphore, #tpu.memory_space<semaphore_mem>>)
      %dma_wait3A = arith.constant 0 : i32
      %dma_wait3A_45 = tpu.memref_slice %arg10[%add3A_27, %dma_wait3A] : memref<10240x128xf32, #tpu.memory_space<vmem_shared>> -> memref<128x128xf32, #tpu.memory_space<vmem_shared>>
      %dma_wait3A_46 = arith.constant 0 : i32
      %dma_wait3A_47 = tpu.memref_slice %arg10[%add3A_27, %dma_wait3A_46] : memref<10240x128xf32, #tpu.memory_space<vmem_shared>> -> memref<128x128xf32, #tpu.memory_space<vmem_shared>>
      tpu.wait_dma2 semaphore(%run_scoped3A : memref<!tpu.dma_semaphore, #tpu.memory_space<semaphore_mem>>) src(%arg9 : memref<128x128xf32, #tpu.memory_space<vmem>>) dst(%dma_wait3A_47 : memref<128x128xf32, #tpu.memory_space<vmem_shared>>)
      tpu.yield
    }) : () -> ()
    %barrier3A = arith.constant 0 : index
    tpu.barrier barrier_id(%barrier3A)
    %mul3A_28 = arith.constant 10000 : i32
    %mul3A_29 = arith.muli %add3A, %mul3A_28 : i32
    %scan3A_30 = arith.constant 0 : i32
    %scan3A_31 = arith.constant 0 : i32
    %scan3A_32 = arith.constant 125 : i32
    %scan3A_33 = arith.addi %scan3A_31, %scan3A_32 : i32
    %scan3A_34 = arith.constant 1 : i32
    %scan3A_35 = scf.for %scan3A_42 = %scan3A_31 to %scan3A_33 step %scan3A_34 iter_args(%scan3A_43 = %scan3A_30) -> (i32)  : i32 {
      %mul3A_44 = arith.constant 80 : i32
      %mul3A_45 = arith.muli %scan3A_42, %mul3A_44 : i32
      %add3A_46 = arith.addi %mul3A_29, %mul3A_45 : i32
      "tpu.region"() ({
        %run_scoped3A = tpu.sem_alloc : memref<!tpu.dma_semaphore, #tpu.memory_space<semaphore_mem>>
        %dma_start3A_52 = tpu.memref_slice %arg3[%add3A_46] : memref<320000xi32, #tpu.memory_space<hbm>> -> memref<80xi32, #tpu.memory_space<hbm>>
        %dma_start3A_53 = tpu.memref_slice %arg3[%add3A_46] : memref<320000xi32, #tpu.memory_space<hbm>> -> memref<80xi32, #tpu.memory_space<hbm>>
        tpu.enqueue_dma source(%dma_start3A_53 : memref<80xi32, #tpu.memory_space<hbm>>) target(%arg6 : memref<80xi32, #tpu.memory_space<vmem>>) target_semaphore(%run_scoped3A : memref<!tpu.dma_semaphore, #tpu.memory_space<semaphore_mem>>)
        %dma_wait3A_54 = tpu.memref_slice %arg3[%add3A_46] : memref<320000xi32, #tpu.memory_space<hbm>> -> memref<80xi32, #tpu.memory_space<hbm>>
        %dma_wait3A_55 = tpu.memref_slice %arg3[%add3A_46] : memref<320000xi32, #tpu.memory_space<hbm>> -> memref<80xi32, #tpu.memory_space<hbm>>
        tpu.wait_dma2 semaphore(%run_scoped3A : memref<!tpu.dma_semaphore, #tpu.memory_space<semaphore_mem>>) src(%dma_wait3A_55 : memref<80xi32, #tpu.memory_space<hbm>>) dst(%arg6 : memref<80xi32, #tpu.memory_space<vmem>>)
        tpu.yield
      }) : () -> ()
      "tpu.region"() ({
        %run_scoped3A = tpu.sem_alloc : memref<!tpu.dma_semaphore, #tpu.memory_space<semaphore_mem>>
        %dma_start3A_52 = tpu.memref_slice %arg4[%add3A_46] : memref<320000xi32, #tpu.memory_space<hbm>> -> memref<80xi32, #tpu.memory_space<hbm>>
        %dma_start3A_53 = tpu.memref_slice %arg4[%add3A_46] : memref<320000xi32, #tpu.memory_space<hbm>> -> memref<80xi32, #tpu.memory_space<hbm>>
        tpu.enqueue_dma source(%dma_start3A_53 : memref<80xi32, #tpu.memory_space<hbm>>) target(%arg7 : memref<80xi32, #tpu.memory_space<vmem>>) target_semaphore(%run_scoped3A : memref<!tpu.dma_semaphore, #tpu.memory_space<semaphore_mem>>)
        %dma_wait3A_54 = tpu.memref_slice %arg4[%add3A_46] : memref<320000xi32, #tpu.memory_space<hbm>> -> memref<80xi32, #tpu.memory_space<hbm>>
        %dma_wait3A_55 = tpu.memref_slice %arg4[%add3A_46] : memref<320000xi32, #tpu.memory_space<hbm>> -> memref<80xi32, #tpu.memory_space<hbm>>
        tpu.wait_dma2 semaphore(%run_scoped3A : memref<!tpu.dma_semaphore, #tpu.memory_space<semaphore_mem>>) src(%dma_wait3A_55 : memref<80xi32, #tpu.memory_space<hbm>>) dst(%arg7 : memref<80xi32, #tpu.memory_space<vmem>>)
        tpu.yield
      }) : () -> ()
      %dma_start3A = arith.constant 0 : i32
      %dma_start3A_47 = arith.constant 0 : i32
      %dma_start3A_48 = tpu.memref_slice %arg2[%dma_start3A, %dma_start3A_47] : memref<10000x128xf32, #tpu.memory_space<hbm>> -> memref<10000x128xf32, #tpu.memory_space<hbm>>
      tpu.enqueue_indirect_dma source(%dma_start3A_48 : memref<10000x128xf32, #tpu.memory_space<hbm>>) target(%arg8 : memref<80x128xf32, #tpu.memory_space<vmem>>) offsets(%arg6 : memref<80xi32, #tpu.memory_space<vmem>>) semaphore(%arg11 : memref<!tpu.dma_semaphore, #tpu.memory_space<semaphore_mem>>)
      %dma_wait3A = arith.constant 0 : i32
      %dma_wait3A_49 = arith.constant 0 : i32
      %dma_wait3A_50 = tpu.memref_slice %arg2[%dma_wait3A, %dma_wait3A_49] : memref<10000x128xf32, #tpu.memory_space<hbm>> -> memref<10000x128xf32, #tpu.memory_space<hbm>>
      tpu.wait_indirect_dma semaphore(%arg11 : memref<!tpu.dma_semaphore, #tpu.memory_space<semaphore_mem>>) src(%dma_wait3A_50 : memref<10000x128xf32, #tpu.memory_space<hbm>>) dst(%arg8 : memref<80x128xf32, #tpu.memory_space<vmem>>)
      "tpu.region"() ({
        %run_scoped3A = tpu.sem_alloc : memref<!tpu.dma_semaphore, #tpu.memory_space<semaphore_mem>>
        %dma_start3A_52 = arith.constant 0 : i32
        %dma_start3A_53 = arith.constant 0 : i32
        %dma_start3A_54 = tpu.memref_slice %arg10[%dma_start3A_52, %dma_start3A_53] : memref<10240x128xf32, #tpu.memory_space<vmem_shared>> -> memref<10240x128xf32, #tpu.memory_space<vmem_shared>>
        tpu.enqueue_indirect_dma source(%arg8 : memref<80x128xf32, #tpu.memory_space<vmem>>) target(%dma_start3A_54 : memref<10240x128xf32, #tpu.memory_space<vmem_shared>>) offsets(%arg7 : memref<80xi32, #tpu.memory_space<vmem>>) semaphore(%run_scoped3A : memref<!tpu.dma_semaphore, #tpu.memory_space<semaphore_mem>>) {add = true}
        %dma_wait3A_55 = arith.constant 0 : i32
        %dma_wait3A_56 = arith.constant 0 : i32
        %dma_wait3A_57 = tpu.memref_slice %arg10[%dma_wait3A_55, %dma_wait3A_56] : memref<10240x128xf32, #tpu.memory_space<vmem_shared>> -> memref<10240x128xf32, #tpu.memory_space<vmem_shared>>
        tpu.wait_indirect_dma semaphore(%run_scoped3A : memref<!tpu.dma_semaphore, #tpu.memory_space<semaphore_mem>>) src(%arg8 : memref<80x128xf32, #tpu.memory_space<vmem>>) dst(%dma_wait3A_57 : memref<10240x128xf32, #tpu.memory_space<vmem_shared>>)
        tpu.yield
      }) : () -> ()
      %scan3A_51 = arith.constant 0 : i32
      scf.yield %scan3A_51 : i32
    }
    %scan3A_36 = arith.constant 125 : i32
    %barrier3A_37 = arith.constant 0 : index
    tpu.barrier barrier_id(%barrier3A_37)
    %mul3A_38 = arith.constant 640 : i32
    %mul3A_39 = arith.muli %arg1, %mul3A_38 : i32
    %mul3A_40 = arith.constant 640 : i32
    %mul3A_41 = arith.muli %arg1, %mul3A_40 : i32
    "tpu.region"() ({
      %run_scoped3A = tpu.sem_alloc : memref<!tpu.dma_semaphore, #tpu.memory_space<semaphore_mem>>
      %dma_start3A = arith.constant 0 : i32
      %dma_start3A_42 = tpu.memref_slice %arg5[%arg0, %mul3A_41, %dma_start3A] : memref<2x10240x128xf32, #tpu.memory_space<hbm>> -> memref<1x640x128xf32, #tpu.memory_space<hbm>>
      %dma_start3A_43 = tpu.memref_squeeze %dma_start3A_42 : memref<1x640x128xf32, #tpu.memory_space<hbm>> -> memref<640x128xf32, #tpu.memory_space<hbm>>
      %dma_start3A_44 = arith.constant 0 : i32
      %dma_start3A_45 = tpu.memref_slice %arg10[%mul3A_39, %dma_start3A_44] : memref<10240x128xf32, #tpu.memory_space<vmem_shared>> -> memref<640x128xf32, #tpu.memory_space<vmem_shared>>
      tpu.enqueue_dma source(%dma_start3A_45 : memref<640x128xf32, #tpu.memory_space<vmem_shared>>) target(%dma_start3A_43 : memref<640x128xf32, #tpu.memory_space<hbm>>) target_semaphore(%run_scoped3A : memref<!tpu.dma_semaphore, #tpu.memory_space<semaphore_mem>>)
      %dma_wait3A = arith.constant 0 : i32
      %dma_wait3A_46 = tpu.memref_slice %arg5[%arg0, %mul3A_41, %dma_wait3A] : memref<2x10240x128xf32, #tpu.memory_space<hbm>> -> memref<1x640x128xf32, #tpu.memory_space<hbm>>
      %dma_wait3A_47 = tpu.memref_squeeze %dma_wait3A_46 : memref<1x640x128xf32, #tpu.memory_space<hbm>> -> memref<640x128xf32, #tpu.memory_space<hbm>>
      %dma_wait3A_48 = arith.constant 0 : i32
      %dma_wait3A_49 = tpu.memref_slice %arg10[%mul3A_39, %dma_wait3A_48] : memref<10240x128xf32, #tpu.memory_space<vmem_shared>> -> memref<640x128xf32, #tpu.memory_space<vmem_shared>>
      tpu.wait_dma2 semaphore(%run_scoped3A : memref<!tpu.dma_semaphore, #tpu.memory_space<semaphore_mem>>) src(%dma_wait3A_49 : memref<640x128xf32, #tpu.memory_space<vmem_shared>>) dst(%dma_wait3A_47 : memref<640x128xf32, #tpu.memory_space<hbm>>)
      tpu.yield
    }) : () -> ()
    return
  }
}

#map = affine_map<(d0, d1) -> (0)>
#map1 = affine_map<(d0, d1) -> (0, 0, 0)>
module attributes {stable_mosaic.version = 14 : i64} {
  func.func @_deg_body(%arg0: i32, %arg1: i32, %arg2: memref<320000xi32, #tpu.memory_space<hbm>>, %arg3: memref<2x10240x128xf32, #tpu.memory_space<hbm>>, %arg4: memref<80xi32, #tpu.memory_space<vmem>>, %arg5: memref<80x128xf32, #tpu.memory_space<vmem>>, %arg6: memref<128x128xf32, #tpu.memory_space<vmem>>, %arg7: memref<10240x128xf32, #tpu.memory_space<vmem_shared>>) attributes {dimension_semantics = [#tpu.dimension_semantics<core_parallel>, #tpu.dimension_semantics<subcore_parallel>], iteration_bounds = array<i64: 2, 16>, scalar_prefetch = 0 : i64, scratch_operands = 4 : i64, tpu.core_type = #tpu.core_type<sc_vector_subcore>, window_params = [{transform_indices = #map}, {transform_indices = #map1}]} {
    %mul3A = arith.constant 2 : i32
    %mul3A_0 = arith.muli %arg1, %mul3A : i32
    %add3A = arith.addi %mul3A_0, %arg0 : i32
    %broadcast_in_dim3A = arith.constant 0.000000e+00 : f32
    %broadcast_in_dim3A_1 = vector.broadcast %broadcast_in_dim3A : f32 to vector<16xf32>
    %broadcast_in_dim3A_2 = arith.constant 1.000000e+00 : f32
    %broadcast_in_dim3A_3 = vector.broadcast %broadcast_in_dim3A_2 : f32 to vector<16xf32>
    %scan3A = arith.constant 0 : i32
    %scan3A_4 = arith.constant 0 : i32
    %scan3A_5 = arith.constant 128 : i32
    %scan3A_6 = arith.addi %scan3A_4, %scan3A_5 : i32
    %scan3A_7 = arith.constant 1 : i32
    %scan3A_8 = scf.for %scan3A_51 = %scan3A_4 to %scan3A_6 step %scan3A_7 iter_args(%scan3A_52 = %scan3A) -> (i32)  : i32 {
      %swap3A = arith.index_cast %scan3A_51 : i32 to index
      %swap3A_53 = arith.constant 0 : index
      %swap3A_54 = tpu.vector_load %arg6[%swap3A, %swap3A_53] {strides = array<i32>} : memref<128x128xf32, #tpu.memory_space<vmem>>, vector<1x16xf32>,
      %swap3A_55 = vector.shape_cast %swap3A_54 : vector<1x16xf32> to vector<16xf32>
      %swap3A_56 = vector.shape_cast %broadcast_in_dim3A_1 : vector<16xf32> to vector<1x16xf32>
      tpu.vector_store %arg6[%swap3A, %swap3A_53], %swap3A_56 {strides = array<i32>} : memref<128x128xf32, #tpu.memory_space<vmem>>, vector<1x16xf32>,
      %swap3A_57 = arith.index_cast %scan3A_51 : i32 to index
      %swap3A_58 = arith.constant 16 : index
      %swap3A_59 = tpu.vector_load %arg6[%swap3A_57, %swap3A_58] {strides = array<i32>} : memref<128x128xf32, #tpu.memory_space<vmem>>, vector<1x16xf32>,
      %swap3A_60 = vector.shape_cast %swap3A_59 : vector<1x16xf32> to vector<16xf32>
      %swap3A_61 = vector.shape_cast %broadcast_in_dim3A_1 : vector<16xf32> to vector<1x16xf32>
      tpu.vector_store %arg6[%swap3A_57, %swap3A_58], %swap3A_61 {strides = array<i32>} : memref<128x128xf32, #tpu.memory_space<vmem>>, vector<1x16xf32>,
      %swap3A_62 = arith.index_cast %scan3A_51 : i32 to index
      %swap3A_63 = arith.constant 32 : index
      %swap3A_64 = tpu.vector_load %arg6[%swap3A_62, %swap3A_63] {strides = array<i32>} : memref<128x128xf32, #tpu.memory_space<vmem>>, vector<1x16xf32>,
      %swap3A_65 = vector.shape_cast %swap3A_64 : vector<1x16xf32> to vector<16xf32>
      %swap3A_66 = vector.shape_cast %broadcast_in_dim3A_1 : vector<16xf32> to vector<1x16xf32>
      tpu.vector_store %arg6[%swap3A_62, %swap3A_63], %swap3A_66 {strides = array<i32>} : memref<128x128xf32, #tpu.memory_space<vmem>>, vector<1x16xf32>,
      %swap3A_67 = arith.index_cast %scan3A_51 : i32 to index
      %swap3A_68 = arith.constant 48 : index
      %swap3A_69 = tpu.vector_load %arg6[%swap3A_67, %swap3A_68] {strides = array<i32>} : memref<128x128xf32, #tpu.memory_space<vmem>>, vector<1x16xf32>,
      %swap3A_70 = vector.shape_cast %swap3A_69 : vector<1x16xf32> to vector<16xf32>
      %swap3A_71 = vector.shape_cast %broadcast_in_dim3A_1 : vector<16xf32> to vector<1x16xf32>
      tpu.vector_store %arg6[%swap3A_67, %swap3A_68], %swap3A_71 {strides = array<i32>} : memref<128x128xf32, #tpu.memory_space<vmem>>, vector<1x16xf32>,
      %swap3A_72 = arith.index_cast %scan3A_51 : i32 to index
      %swap3A_73 = arith.constant 64 : index
      %swap3A_74 = tpu.vector_load %arg6[%swap3A_72, %swap3A_73] {strides = array<i32>} : memref<128x128xf32, #tpu.memory_space<vmem>>, vector<1x16xf32>,
      %swap3A_75 = vector.shape_cast %swap3A_74 : vector<1x16xf32> to vector<16xf32>
      %swap3A_76 = vector.shape_cast %broadcast_in_dim3A_1 : vector<16xf32> to vector<1x16xf32>
      tpu.vector_store %arg6[%swap3A_72, %swap3A_73], %swap3A_76 {strides = array<i32>} : memref<128x128xf32, #tpu.memory_space<vmem>>, vector<1x16xf32>,
      %swap3A_77 = arith.index_cast %scan3A_51 : i32 to index
      %swap3A_78 = arith.constant 80 : index
      %swap3A_79 = tpu.vector_load %arg6[%swap3A_77, %swap3A_78] {strides = array<i32>} : memref<128x128xf32, #tpu.memory_space<vmem>>, vector<1x16xf32>,
      %swap3A_80 = vector.shape_cast %swap3A_79 : vector<1x16xf32> to vector<16xf32>
      %swap3A_81 = vector.shape_cast %broadcast_in_dim3A_1 : vector<16xf32> to vector<1x16xf32>
      tpu.vector_store %arg6[%swap3A_77, %swap3A_78], %swap3A_81 {strides = array<i32>} : memref<128x128xf32, #tpu.memory_space<vmem>>, vector<1x16xf32>,
      %swap3A_82 = arith.index_cast %scan3A_51 : i32 to index
      %swap3A_83 = arith.constant 96 : index
      %swap3A_84 = tpu.vector_load %arg6[%swap3A_82, %swap3A_83] {strides = array<i32>} : memref<128x128xf32, #tpu.memory_space<vmem>>, vector<1x16xf32>,
      %swap3A_85 = vector.shape_cast %swap3A_84 : vector<1x16xf32> to vector<16xf32>
      %swap3A_86 = vector.shape_cast %broadcast_in_dim3A_1 : vector<16xf32> to vector<1x16xf32>
      tpu.vector_store %arg6[%swap3A_82, %swap3A_83], %swap3A_86 {strides = array<i32>} : memref<128x128xf32, #tpu.memory_space<vmem>>, vector<1x16xf32>,
      %swap3A_87 = arith.index_cast %scan3A_51 : i32 to index
      %swap3A_88 = arith.constant 112 : index
      %swap3A_89 = tpu.vector_load %arg6[%swap3A_87, %swap3A_88] {strides = array<i32>} : memref<128x128xf32, #tpu.memory_space<vmem>>, vector<1x16xf32>,
      %swap3A_90 = vector.shape_cast %swap3A_89 : vector<1x16xf32> to vector<16xf32>
      %swap3A_91 = vector.shape_cast %broadcast_in_dim3A_1 : vector<16xf32> to vector<1x16xf32>
      tpu.vector_store %arg6[%swap3A_87, %swap3A_88], %swap3A_91 {strides = array<i32>} : memref<128x128xf32, #tpu.memory_space<vmem>>, vector<1x16xf32>,
      %scan3A_92 = arith.constant 0 : i32
      scf.yield %scan3A_92 : i32
    }
    %scan3A_9 = arith.constant 128 : i32
    %scan3A_10 = arith.constant 0 : i32
    %scan3A_11 = arith.constant 0 : i32
    %scan3A_12 = arith.constant 80 : i32
    %scan3A_13 = arith.addi %scan3A_11, %scan3A_12 : i32
    %scan3A_14 = arith.constant 1 : i32
    %scan3A_15 = scf.for %scan3A_51 = %scan3A_11 to %scan3A_13 step %scan3A_14 iter_args(%scan3A_52 = %scan3A_10) -> (i32)  : i32 {
      %swap3A = arith.index_cast %scan3A_51 : i32 to index
      %swap3A_53 = arith.constant 0 : index
      %swap3A_54 = tpu.vector_load %arg5[%swap3A, %swap3A_53] {strides = array<i32>} : memref<80x128xf32, #tpu.memory_space<vmem>>, vector<1x16xf32>,
      %swap3A_55 = vector.shape_cast %swap3A_54 : vector<1x16xf32> to vector<16xf32>
      %swap3A_56 = vector.shape_cast %broadcast_in_dim3A_3 : vector<16xf32> to vector<1x16xf32>
      tpu.vector_store %arg5[%swap3A, %swap3A_53], %swap3A_56 {strides = array<i32>} : memref<80x128xf32, #tpu.memory_space<vmem>>, vector<1x16xf32>,
      %swap3A_57 = arith.index_cast %scan3A_51 : i32 to index
      %swap3A_58 = arith.constant 16 : index
      %swap3A_59 = tpu.vector_load %arg5[%swap3A_57, %swap3A_58] {strides = array<i32>} : memref<80x128xf32, #tpu.memory_space<vmem>>, vector<1x16xf32>,
      %swap3A_60 = vector.shape_cast %swap3A_59 : vector<1x16xf32> to vector<16xf32>
      %swap3A_61 = vector.shape_cast %broadcast_in_dim3A_3 : vector<16xf32> to vector<1x16xf32>
      tpu.vector_store %arg5[%swap3A_57, %swap3A_58], %swap3A_61 {strides = array<i32>} : memref<80x128xf32, #tpu.memory_space<vmem>>, vector<1x16xf32>,
      %swap3A_62 = arith.index_cast %scan3A_51 : i32 to index
      %swap3A_63 = arith.constant 32 : index
      %swap3A_64 = tpu.vector_load %arg5[%swap3A_62, %swap3A_63] {strides = array<i32>} : memref<80x128xf32, #tpu.memory_space<vmem>>, vector<1x16xf32>,
      %swap3A_65 = vector.shape_cast %swap3A_64 : vector<1x16xf32> to vector<16xf32>
      %swap3A_66 = vector.shape_cast %broadcast_in_dim3A_3 : vector<16xf32> to vector<1x16xf32>
      tpu.vector_store %arg5[%swap3A_62, %swap3A_63], %swap3A_66 {strides = array<i32>} : memref<80x128xf32, #tpu.memory_space<vmem>>, vector<1x16xf32>,
      %swap3A_67 = arith.index_cast %scan3A_51 : i32 to index
      %swap3A_68 = arith.constant 48 : index
      %swap3A_69 = tpu.vector_load %arg5[%swap3A_67, %swap3A_68] {strides = array<i32>} : memref<80x128xf32, #tpu.memory_space<vmem>>, vector<1x16xf32>,
      %swap3A_70 = vector.shape_cast %swap3A_69 : vector<1x16xf32> to vector<16xf32>
      %swap3A_71 = vector.shape_cast %broadcast_in_dim3A_3 : vector<16xf32> to vector<1x16xf32>
      tpu.vector_store %arg5[%swap3A_67, %swap3A_68], %swap3A_71 {strides = array<i32>} : memref<80x128xf32, #tpu.memory_space<vmem>>, vector<1x16xf32>,
      %swap3A_72 = arith.index_cast %scan3A_51 : i32 to index
      %swap3A_73 = arith.constant 64 : index
      %swap3A_74 = tpu.vector_load %arg5[%swap3A_72, %swap3A_73] {strides = array<i32>} : memref<80x128xf32, #tpu.memory_space<vmem>>, vector<1x16xf32>,
      %swap3A_75 = vector.shape_cast %swap3A_74 : vector<1x16xf32> to vector<16xf32>
      %swap3A_76 = vector.shape_cast %broadcast_in_dim3A_3 : vector<16xf32> to vector<1x16xf32>
      tpu.vector_store %arg5[%swap3A_72, %swap3A_73], %swap3A_76 {strides = array<i32>} : memref<80x128xf32, #tpu.memory_space<vmem>>, vector<1x16xf32>,
      %swap3A_77 = arith.index_cast %scan3A_51 : i32 to index
      %swap3A_78 = arith.constant 80 : index
      %swap3A_79 = tpu.vector_load %arg5[%swap3A_77, %swap3A_78] {strides = array<i32>} : memref<80x128xf32, #tpu.memory_space<vmem>>, vector<1x16xf32>,
      %swap3A_80 = vector.shape_cast %swap3A_79 : vector<1x16xf32> to vector<16xf32>
      %swap3A_81 = vector.shape_cast %broadcast_in_dim3A_3 : vector<16xf32> to vector<1x16xf32>
      tpu.vector_store %arg5[%swap3A_77, %swap3A_78], %swap3A_81 {strides = array<i32>} : memref<80x128xf32, #tpu.memory_space<vmem>>, vector<1x16xf32>,
      %swap3A_82 = arith.index_cast %scan3A_51 : i32 to index
      %swap3A_83 = arith.constant 96 : index
      %swap3A_84 = tpu.vector_load %arg5[%swap3A_82, %swap3A_83] {strides = array<i32>} : memref<80x128xf32, #tpu.memory_space<vmem>>, vector<1x16xf32>,
      %swap3A_85 = vector.shape_cast %swap3A_84 : vector<1x16xf32> to vector<16xf32>
      %swap3A_86 = vector.shape_cast %broadcast_in_dim3A_3 : vector<16xf32> to vector<1x16xf32>
      tpu.vector_store %arg5[%swap3A_82, %swap3A_83], %swap3A_86 {strides = array<i32>} : memref<80x128xf32, #tpu.memory_space<vmem>>, vector<1x16xf32>,
      %swap3A_87 = arith.index_cast %scan3A_51 : i32 to index
      %swap3A_88 = arith.constant 112 : index
      %swap3A_89 = tpu.vector_load %arg5[%swap3A_87, %swap3A_88] {strides = array<i32>} : memref<80x128xf32, #tpu.memory_space<vmem>>, vector<1x16xf32>,
      %swap3A_90 = vector.shape_cast %swap3A_89 : vector<1x16xf32> to vector<16xf32>
      %swap3A_91 = vector.shape_cast %broadcast_in_dim3A_3 : vector<16xf32> to vector<1x16xf32>
      tpu.vector_store %arg5[%swap3A_87, %swap3A_88], %swap3A_91 {strides = array<i32>} : memref<80x128xf32, #tpu.memory_space<vmem>>, vector<1x16xf32>,
      %scan3A_92 = arith.constant 0 : i32
      scf.yield %scan3A_92 : i32
    }
    %scan3A_16 = arith.constant 80 : i32
    %mul3A_17 = arith.constant 640 : i32
    %mul3A_18 = arith.muli %arg1, %mul3A_17 : i32
    %add3A_19 = arith.constant 0 : i32
    %add3A_20 = arith.addi %mul3A_18, %add3A_19 : i32
    "tpu.region"() ({
      %run_scoped3A = tpu.sem_alloc : memref<!tpu.dma_semaphore, #tpu.memory_space<semaphore_mem>>
      %dma_start3A = arith.constant 0 : i32
      %dma_start3A_51 = tpu.memref_slice %arg7[%add3A_20, %dma_start3A] : memref<10240x128xf32, #tpu.memory_space<vmem_shared>> -> memref<128x128xf32, #tpu.memory_space<vmem_shared>>
      %dma_start3A_52 = arith.constant 0 : i32
      %dma_start3A_53 = tpu.memref_slice %arg7[%add3A_20, %dma_start3A_52] : memref<10240x128xf32, #tpu.memory_space<vmem_shared>> -> memref<128x128xf32, #tpu.memory_space<vmem_shared>>
      tpu.enqueue_dma source(%arg6 : memref<128x128xf32, #tpu.memory_space<vmem>>) target(%dma_start3A_53 : memref<128x128xf32, #tpu.memory_space<vmem_shared>>) target_semaphore(%run_scoped3A : memref<!tpu.dma_semaphore, #tpu.memory_space<semaphore_mem>>)
      %dma_wait3A = arith.constant 0 : i32
      %dma_wait3A_54 = tpu.memref_slice %arg7[%add3A_20, %dma_wait3A] : memref<10240x128xf32, #tpu.memory_space<vmem_shared>> -> memref<128x128xf32, #tpu.memory_space<vmem_shared>>
      %dma_wait3A_55 = arith.constant 0 : i32
      %dma_wait3A_56 = tpu.memref_slice %arg7[%add3A_20, %dma_wait3A_55] : memref<10240x128xf32, #tpu.memory_space<vmem_shared>> -> memref<128x128xf32, #tpu.memory_space<vmem_shared>>
      tpu.wait_dma2 semaphore(%run_scoped3A : memref<!tpu.dma_semaphore, #tpu.memory_space<semaphore_mem>>) src(%arg6 : memref<128x128xf32, #tpu.memory_space<vmem>>) dst(%dma_wait3A_56 : memref<128x128xf32, #tpu.memory_space<vmem_shared>>)
      tpu.yield
    }) : () -> ()
    %mul3A_21 = arith.constant 640 : i32
    %mul3A_22 = arith.muli %arg1, %mul3A_21 : i32
    %add3A_23 = arith.constant 128 : i32
    %add3A_24 = arith.addi %mul3A_22, %add3A_23 : i32
    "tpu.region"() ({
      %run_scoped3A = tpu.sem_alloc : memref<!tpu.dma_semaphore, #tpu.memory_space<semaphore_mem>>
      %dma_start3A = arith.constant 0 : i32
      %dma_start3A_51 = tpu.memref_slice %arg7[%add3A_24, %dma_start3A] : memref<10240x128xf32, #tpu.memory_space<vmem_shared>> -> memref<128x128xf32, #tpu.memory_space<vmem_shared>>
      %dma_start3A_52 = arith.constant 0 : i32
      %dma_start3A_53 = tpu.memref_slice %arg7[%add3A_24, %dma_start3A_52] : memref<10240x128xf32, #tpu.memory_space<vmem_shared>> -> memref<128x128xf32, #tpu.memory_space<vmem_shared>>
      tpu.enqueue_dma source(%arg6 : memref<128x128xf32, #tpu.memory_space<vmem>>) target(%dma_start3A_53 : memref<128x128xf32, #tpu.memory_space<vmem_shared>>) target_semaphore(%run_scoped3A : memref<!tpu.dma_semaphore, #tpu.memory_space<semaphore_mem>>)
      %dma_wait3A = arith.constant 0 : i32
      %dma_wait3A_54 = tpu.memref_slice %arg7[%add3A_24, %dma_wait3A] : memref<10240x128xf32, #tpu.memory_space<vmem_shared>> -> memref<128x128xf32, #tpu.memory_space<vmem_shared>>
      %dma_wait3A_55 = arith.constant 0 : i32
      %dma_wait3A_56 = tpu.memref_slice %arg7[%add3A_24, %dma_wait3A_55] : memref<10240x128xf32, #tpu.memory_space<vmem_shared>> -> memref<128x128xf32, #tpu.memory_space<vmem_shared>>
      tpu.wait_dma2 semaphore(%run_scoped3A : memref<!tpu.dma_semaphore, #tpu.memory_space<semaphore_mem>>) src(%arg6 : memref<128x128xf32, #tpu.memory_space<vmem>>) dst(%dma_wait3A_56 : memref<128x128xf32, #tpu.memory_space<vmem_shared>>)
      tpu.yield
    }) : () -> ()
    %mul3A_25 = arith.constant 640 : i32
    %mul3A_26 = arith.muli %arg1, %mul3A_25 : i32
    %add3A_27 = arith.constant 256 : i32
    %add3A_28 = arith.addi %mul3A_26, %add3A_27 : i32
    "tpu.region"() ({
      %run_scoped3A = tpu.sem_alloc : memref<!tpu.dma_semaphore, #tpu.memory_space<semaphore_mem>>
      %dma_start3A = arith.constant 0 : i32
      %dma_start3A_51 = tpu.memref_slice %arg7[%add3A_28, %dma_start3A] : memref<10240x128xf32, #tpu.memory_space<vmem_shared>> -> memref<128x128xf32, #tpu.memory_space<vmem_shared>>
      %dma_start3A_52 = arith.constant 0 : i32
      %dma_start3A_53 = tpu.memref_slice %arg7[%add3A_28, %dma_start3A_52] : memref<10240x128xf32, #tpu.memory_space<vmem_shared>> -> memref<128x128xf32, #tpu.memory_space<vmem_shared>>
      tpu.enqueue_dma source(%arg6 : memref<128x128xf32, #tpu.memory_space<vmem>>) target(%dma_start3A_53 : memref<128x128xf32, #tpu.memory_space<vmem_shared>>) target_semaphore(%run_scoped3A : memref<!tpu.dma_semaphore, #tpu.memory_space<semaphore_mem>>)
      %dma_wait3A = arith.constant 0 : i32
      %dma_wait3A_54 = tpu.memref_slice %arg7[%add3A_28, %dma_wait3A] : memref<10240x128xf32, #tpu.memory_space<vmem_shared>> -> memref<128x128xf32, #tpu.memory_space<vmem_shared>>
      %dma_wait3A_55 = arith.constant 0 : i32
      %dma_wait3A_56 = tpu.memref_slice %arg7[%add3A_28, %dma_wait3A_55] : memref<10240x128xf32, #tpu.memory_space<vmem_shared>> -> memref<128x128xf32, #tpu.memory_space<vmem_shared>>
      tpu.wait_dma2 semaphore(%run_scoped3A : memref<!tpu.dma_semaphore, #tpu.memory_space<semaphore_mem>>) src(%arg6 : memref<128x128xf32, #tpu.memory_space<vmem>>) dst(%dma_wait3A_56 : memref<128x128xf32, #tpu.memory_space<vmem_shared>>)
      tpu.yield
    }) : () -> ()
    %mul3A_29 = arith.constant 640 : i32
    %mul3A_30 = arith.muli %arg1, %mul3A_29 : i32
    %add3A_31 = arith.constant 384 : i32
    %add3A_32 = arith.addi %mul3A_30, %add3A_31 : i32
    "tpu.region"() ({
      %run_scoped3A = tpu.sem_alloc : memref<!tpu.dma_semaphore, #tpu.memory_space<semaphore_mem>>
      %dma_start3A = arith.constant 0 : i32
      %dma_start3A_51 = tpu.memref_slice %arg7[%add3A_32, %dma_start3A] : memref<10240x128xf32, #tpu.memory_space<vmem_shared>> -> memref<128x128xf32, #tpu.memory_space<vmem_shared>>
      %dma_start3A_52 = arith.constant 0 : i32
      %dma_start3A_53 = tpu.memref_slice %arg7[%add3A_32, %dma_start3A_52] : memref<10240x128xf32, #tpu.memory_space<vmem_shared>> -> memref<128x128xf32, #tpu.memory_space<vmem_shared>>
      tpu.enqueue_dma source(%arg6 : memref<128x128xf32, #tpu.memory_space<vmem>>) target(%dma_start3A_53 : memref<128x128xf32, #tpu.memory_space<vmem_shared>>) target_semaphore(%run_scoped3A : memref<!tpu.dma_semaphore, #tpu.memory_space<semaphore_mem>>)
      %dma_wait3A = arith.constant 0 : i32
      %dma_wait3A_54 = tpu.memref_slice %arg7[%add3A_32, %dma_wait3A] : memref<10240x128xf32, #tpu.memory_space<vmem_shared>> -> memref<128x128xf32, #tpu.memory_space<vmem_shared>>
      %dma_wait3A_55 = arith.constant 0 : i32
      %dma_wait3A_56 = tpu.memref_slice %arg7[%add3A_32, %dma_wait3A_55] : memref<10240x128xf32, #tpu.memory_space<vmem_shared>> -> memref<128x128xf32, #tpu.memory_space<vmem_shared>>
      tpu.wait_dma2 semaphore(%run_scoped3A : memref<!tpu.dma_semaphore, #tpu.memory_space<semaphore_mem>>) src(%arg6 : memref<128x128xf32, #tpu.memory_space<vmem>>) dst(%dma_wait3A_56 : memref<128x128xf32, #tpu.memory_space<vmem_shared>>)
      tpu.yield
    }) : () -> ()
    %mul3A_33 = arith.constant 640 : i32
    %mul3A_34 = arith.muli %arg1, %mul3A_33 : i32
    %add3A_35 = arith.constant 512 : i32
    %add3A_36 = arith.addi %mul3A_34, %add3A_35 : i32
    "tpu.region"() ({
      %run_scoped3A = tpu.sem_alloc : memref<!tpu.dma_semaphore, #tpu.memory_space<semaphore_mem>>
      %dma_start3A = arith.constant 0 : i32
      %dma_start3A_51 = tpu.memref_slice %arg7[%add3A_36, %dma_start3A] : memref<10240x128xf32, #tpu.memory_space<vmem_shared>> -> memref<128x128xf32, #tpu.memory_space<vmem_shared>>
      %dma_start3A_52 = arith.constant 0 : i32
      %dma_start3A_53 = tpu.memref_slice %arg7[%add3A_36, %dma_start3A_52] : memref<10240x128xf32, #tpu.memory_space<vmem_shared>> -> memref<128x128xf32, #tpu.memory_space<vmem_shared>>
      tpu.enqueue_dma source(%arg6 : memref<128x128xf32, #tpu.memory_space<vmem>>) target(%dma_start3A_53 : memref<128x128xf32, #tpu.memory_space<vmem_shared>>) target_semaphore(%run_scoped3A : memref<!tpu.dma_semaphore, #tpu.memory_space<semaphore_mem>>)
      %dma_wait3A = arith.constant 0 : i32
      %dma_wait3A_54 = tpu.memref_slice %arg7[%add3A_36, %dma_wait3A] : memref<10240x128xf32, #tpu.memory_space<vmem_shared>> -> memref<128x128xf32, #tpu.memory_space<vmem_shared>>
      %dma_wait3A_55 = arith.constant 0 : i32
      %dma_wait3A_56 = tpu.memref_slice %arg7[%add3A_36, %dma_wait3A_55] : memref<10240x128xf32, #tpu.memory_space<vmem_shared>> -> memref<128x128xf32, #tpu.memory_space<vmem_shared>>
      tpu.wait_dma2 semaphore(%run_scoped3A : memref<!tpu.dma_semaphore, #tpu.memory_space<semaphore_mem>>) src(%arg6 : memref<128x128xf32, #tpu.memory_space<vmem>>) dst(%dma_wait3A_56 : memref<128x128xf32, #tpu.memory_space<vmem_shared>>)
      tpu.yield
    }) : () -> ()
    %barrier3A = arith.constant 0 : index
    tpu.barrier barrier_id(%barrier3A)
    %mul3A_37 = arith.constant 10000 : i32
    %mul3A_38 = arith.muli %add3A, %mul3A_37 : i32
    %scan3A_39 = arith.constant 0 : i32
    %scan3A_40 = arith.constant 0 : i32
    %scan3A_41 = arith.constant 125 : i32
    %scan3A_42 = arith.addi %scan3A_40, %scan3A_41 : i32
    %scan3A_43 = arith.constant 1 : i32
    %scan3A_44 = scf.for %scan3A_51 = %scan3A_40 to %scan3A_42 step %scan3A_43 iter_args(%scan3A_52 = %scan3A_39) -> (i32)  : i32 {
      %mul3A_53 = arith.constant 80 : i32
      %mul3A_54 = arith.muli %scan3A_51, %mul3A_53 : i32
      %add3A_55 = arith.addi %mul3A_38, %mul3A_54 : i32
      "tpu.region"() ({
        %run_scoped3A = tpu.sem_alloc : memref<!tpu.dma_semaphore, #tpu.memory_space<semaphore_mem>>
        %dma_start3A = tpu.memref_slice %arg2[%add3A_55] : memref<320000xi32, #tpu.memory_space<hbm>> -> memref<80xi32, #tpu.memory_space<hbm>>
        %dma_start3A_57 = tpu.memref_slice %arg2[%add3A_55] : memref<320000xi32, #tpu.memory_space<hbm>> -> memref<80xi32, #tpu.memory_space<hbm>>
        tpu.enqueue_dma source(%dma_start3A_57 : memref<80xi32, #tpu.memory_space<hbm>>) target(%arg4 : memref<80xi32, #tpu.memory_space<vmem>>) target_semaphore(%run_scoped3A : memref<!tpu.dma_semaphore, #tpu.memory_space<semaphore_mem>>)
        %dma_wait3A = tpu.memref_slice %arg2[%add3A_55] : memref<320000xi32, #tpu.memory_space<hbm>> -> memref<80xi32, #tpu.memory_space<hbm>>
        %dma_wait3A_58 = tpu.memref_slice %arg2[%add3A_55] : memref<320000xi32, #tpu.memory_space<hbm>> -> memref<80xi32, #tpu.memory_space<hbm>>
        tpu.wait_dma2 semaphore(%run_scoped3A : memref<!tpu.dma_semaphore, #tpu.memory_space<semaphore_mem>>) src(%dma_wait3A_58 : memref<80xi32, #tpu.memory_space<hbm>>) dst(%arg4 : memref<80xi32, #tpu.memory_space<vmem>>)
        tpu.yield
      }) : () -> ()
      "tpu.region"() ({
        %run_scoped3A = tpu.sem_alloc : memref<!tpu.dma_semaphore, #tpu.memory_space<semaphore_mem>>
        %dma_start3A = arith.constant 0 : i32
        %dma_start3A_57 = arith.constant 0 : i32
        %dma_start3A_58 = tpu.memref_slice %arg7[%dma_start3A, %dma_start3A_57] : memref<10240x128xf32, #tpu.memory_space<vmem_shared>> -> memref<10240x128xf32, #tpu.memory_space<vmem_shared>>
        tpu.enqueue_indirect_dma source(%arg5 : memref<80x128xf32, #tpu.memory_space<vmem>>) target(%dma_start3A_58 : memref<10240x128xf32, #tpu.memory_space<vmem_shared>>) offsets(%arg4 : memref<80xi32, #tpu.memory_space<vmem>>) semaphore(%run_scoped3A : memref<!tpu.dma_semaphore, #tpu.memory_space<semaphore_mem>>) {add = true}
        %dma_wait3A = arith.constant 0 : i32
        %dma_wait3A_59 = arith.constant 0 : i32
        %dma_wait3A_60 = tpu.memref_slice %arg7[%dma_wait3A, %dma_wait3A_59] : memref<10240x128xf32, #tpu.memory_space<vmem_shared>> -> memref<10240x128xf32, #tpu.memory_space<vmem_shared>>
        tpu.wait_indirect_dma semaphore(%run_scoped3A : memref<!tpu.dma_semaphore, #tpu.memory_space<semaphore_mem>>) src(%arg5 : memref<80x128xf32, #tpu.memory_space<vmem>>) dst(%dma_wait3A_60 : memref<10240x128xf32, #tpu.memory_space<vmem_shared>>)
        tpu.yield
      }) : () -> ()
      %scan3A_56 = arith.constant 0 : i32
      scf.yield %scan3A_56 : i32
    }
    %scan3A_45 = arith.constant 125 : i32
    %barrier3A_46 = arith.constant 0 : index
    tpu.barrier barrier_id(%barrier3A_46)
    %mul3A_47 = arith.constant 640 : i32
    %mul3A_48 = arith.muli %arg1, %mul3A_47 : i32
    %mul3A_49 = arith.constant 640 : i32
    %mul3A_50 = arith.muli %arg1, %mul3A_49 : i32
    "tpu.region"() ({
      %run_scoped3A = tpu.sem_alloc : memref<!tpu.dma_semaphore, #tpu.memory_space<semaphore_mem>>
      %dma_start3A = arith.constant 0 : i32
      %dma_start3A_51 = tpu.memref_slice %arg3[%arg0, %mul3A_50, %dma_start3A] : memref<2x10240x128xf32, #tpu.memory_space<hbm>> -> memref<1x640x128xf32, #tpu.memory_space<hbm>>
      %dma_start3A_52 = tpu.memref_squeeze %dma_start3A_51 : memref<1x640x128xf32, #tpu.memory_space<hbm>> -> memref<640x128xf32, #tpu.memory_space<hbm>>
      %dma_start3A_53 = arith.constant 0 : i32
      %dma_start3A_54 = tpu.memref_slice %arg7[%mul3A_48, %dma_start3A_53] : memref<10240x128xf32, #tpu.memory_space<vmem_shared>> -> memref<640x128xf32, #tpu.memory_space<vmem_shared>>
      tpu.enqueue_dma source(%dma_start3A_54 : memref<640x128xf32, #tpu.memory_space<vmem_shared>>) target(%dma_start3A_52 : memref<640x128xf32, #tpu.memory_space<hbm>>) target_semaphore(%run_scoped3A : memref<!tpu.dma_semaphore, #tpu.memory_space<semaphore_mem>>)
      %dma_wait3A = arith.constant 0 : i32
      %dma_wait3A_55 = tpu.memref_slice %arg3[%arg0, %mul3A_50, %dma_wait3A] : memref<2x10240x128xf32, #tpu.memory_space<hbm>> -> memref<1x640x128xf32, #tpu.memory_space<hbm>>
      %dma_wait3A_56 = tpu.memref_squeeze %dma_wait3A_55 : memref<1x640x128xf32, #tpu.memory_space<hbm>> -> memref<640x128xf32, #tpu.memory_space<hbm>>
      %dma_wait3A_57 = arith.constant 0 : i32
      %dma_wait3A_58 = tpu.memref_slice %arg7[%mul3A_48, %dma_wait3A_57] : memref<10240x128xf32, #tpu.memory_space<vmem_shared>> -> memref<640x128xf32, #tpu.memory_space<vmem_shared>>
      tpu.wait_dma2 semaphore(%run_scoped3A : memref<!tpu.dma_semaphore, #tpu.memory_space<semaphore_mem>>) src(%dma_wait3A_58 : memref<640x128xf32, #tpu.memory_space<vmem_shared>>) dst(%dma_wait3A_56 : memref<640x128xf32, #tpu.memory_space<hbm>>)
      tpu.yield
    }) : () -> ()
    return
  }
}

#map = affine_map<(d0, d1) -> (0, 0)>
#map1 = affine_map<(d0, d1) -> (0)>
#map2 = affine_map<(d0, d1) -> (0, 0, 0)>
module attributes {stable_mosaic.version = 14 : i64} {
  func.func @_agg_body(%arg0: i32, %arg1: i32, %arg2: memref<10000x128xf32, #tpu.memory_space<hbm>>, %arg3: memref<320000xi32, #tpu.memory_space<hbm>>, %arg4: memref<320000xi32, #tpu.memory_space<hbm>>, %arg5: memref<2x10240x128xf32, #tpu.memory_space<hbm>>, %arg6: memref<80xi32, #tpu.memory_space<vmem>>, %arg7: memref<80xi32, #tpu.memory_space<vmem>>, %arg8: memref<80x128xf32, #tpu.memory_space<vmem>>, %arg9: memref<128x128xf32, #tpu.memory_space<vmem>>, %arg10: memref<10240x128xf32, #tpu.memory_space<vmem_shared>>, %arg11: memref<!tpu.dma_semaphore, #tpu.memory_space<semaphore_mem>>) attributes {dimension_semantics = [#tpu.dimension_semantics<core_parallel>, #tpu.dimension_semantics<subcore_parallel>], iteration_bounds = array<i64: 2, 16>, scalar_prefetch = 0 : i64, scratch_operands = 6 : i64, tpu.core_type = #tpu.core_type<sc_vector_subcore>, window_params = [{transform_indices = #map}, {transform_indices = #map1}, {transform_indices = #map1}, {transform_indices = #map2}]} {
    %mul3A = arith.constant 2 : i32
    %mul3A_0 = arith.muli %arg1, %mul3A : i32
    %add3A = arith.addi %mul3A_0, %arg0 : i32
    %broadcast_in_dim3A = arith.constant 0.000000e+00 : f32
    %broadcast_in_dim3A_1 = vector.broadcast %broadcast_in_dim3A : f32 to vector<16xf32>
    %scan3A = arith.constant 0 : i32
    %scan3A_2 = arith.constant 0 : i32
    %scan3A_3 = arith.constant 128 : i32
    %scan3A_4 = arith.addi %scan3A_2, %scan3A_3 : i32
    %scan3A_5 = arith.constant 1 : i32
    %scan3A_6 = scf.for %scan3A_42 = %scan3A_2 to %scan3A_4 step %scan3A_5 iter_args(%scan3A_43 = %scan3A) -> (i32)  : i32 {
      %swap3A = arith.index_cast %scan3A_42 : i32 to index
      %swap3A_44 = arith.constant 0 : index
      %swap3A_45 = tpu.vector_load %arg9[%swap3A, %swap3A_44] {strides = array<i32>} : memref<128x128xf32, #tpu.memory_space<vmem>>, vector<1x16xf32>,
      %swap3A_46 = vector.shape_cast %swap3A_45 : vector<1x16xf32> to vector<16xf32>
      %swap3A_47 = vector.shape_cast %broadcast_in_dim3A_1 : vector<16xf32> to vector<1x16xf32>
      tpu.vector_store %arg9[%swap3A, %swap3A_44], %swap3A_47 {strides = array<i32>} : memref<128x128xf32, #tpu.memory_space<vmem>>, vector<1x16xf32>,
      %swap3A_48 = arith.index_cast %scan3A_42 : i32 to index
      %swap3A_49 = arith.constant 16 : index
      %swap3A_50 = tpu.vector_load %arg9[%swap3A_48, %swap3A_49] {strides = array<i32>} : memref<128x128xf32, #tpu.memory_space<vmem>>, vector<1x16xf32>,
      %swap3A_51 = vector.shape_cast %swap3A_50 : vector<1x16xf32> to vector<16xf32>
      %swap3A_52 = vector.shape_cast %broadcast_in_dim3A_1 : vector<16xf32> to vector<1x16xf32>
      tpu.vector_store %arg9[%swap3A_48, %swap3A_49], %swap3A_52 {strides = array<i32>} : memref<128x128xf32, #tpu.memory_space<vmem>>, vector<1x16xf32>,
      %swap3A_53 = arith.index_cast %scan3A_42 : i32 to index
      %swap3A_54 = arith.constant 32 : index
      %swap3A_55 = tpu.vector_load %arg9[%swap3A_53, %swap3A_54] {strides = array<i32>} : memref<128x128xf32, #tpu.memory_space<vmem>>, vector<1x16xf32>,
      %swap3A_56 = vector.shape_cast %swap3A_55 : vector<1x16xf32> to vector<16xf32>
      %swap3A_57 = vector.shape_cast %broadcast_in_dim3A_1 : vector<16xf32> to vector<1x16xf32>
      tpu.vector_store %arg9[%swap3A_53, %swap3A_54], %swap3A_57 {strides = array<i32>} : memref<128x128xf32, #tpu.memory_space<vmem>>, vector<1x16xf32>,
      %swap3A_58 = arith.index_cast %scan3A_42 : i32 to index
      %swap3A_59 = arith.constant 48 : index
      %swap3A_60 = tpu.vector_load %arg9[%swap3A_58, %swap3A_59] {strides = array<i32>} : memref<128x128xf32, #tpu.memory_space<vmem>>, vector<1x16xf32>,
      %swap3A_61 = vector.shape_cast %swap3A_60 : vector<1x16xf32> to vector<16xf32>
      %swap3A_62 = vector.shape_cast %broadcast_in_dim3A_1 : vector<16xf32> to vector<1x16xf32>
      tpu.vector_store %arg9[%swap3A_58, %swap3A_59], %swap3A_62 {strides = array<i32>} : memref<128x128xf32, #tpu.memory_space<vmem>>, vector<1x16xf32>,
      %swap3A_63 = arith.index_cast %scan3A_42 : i32 to index
      %swap3A_64 = arith.constant 64 : index
      %swap3A_65 = tpu.vector_load %arg9[%swap3A_63, %swap3A_64] {strides = array<i32>} : memref<128x128xf32, #tpu.memory_space<vmem>>, vector<1x16xf32>,
      %swap3A_66 = vector.shape_cast %swap3A_65 : vector<1x16xf32> to vector<16xf32>
      %swap3A_67 = vector.shape_cast %broadcast_in_dim3A_1 : vector<16xf32> to vector<1x16xf32>
      tpu.vector_store %arg9[%swap3A_63, %swap3A_64], %swap3A_67 {strides = array<i32>} : memref<128x128xf32, #tpu.memory_space<vmem>>, vector<1x16xf32>,
      %swap3A_68 = arith.index_cast %scan3A_42 : i32 to index
      %swap3A_69 = arith.constant 80 : index
      %swap3A_70 = tpu.vector_load %arg9[%swap3A_68, %swap3A_69] {strides = array<i32>} : memref<128x128xf32, #tpu.memory_space<vmem>>, vector<1x16xf32>,
      %swap3A_71 = vector.shape_cast %swap3A_70 : vector<1x16xf32> to vector<16xf32>
      %swap3A_72 = vector.shape_cast %broadcast_in_dim3A_1 : vector<16xf32> to vector<1x16xf32>
      tpu.vector_store %arg9[%swap3A_68, %swap3A_69], %swap3A_72 {strides = array<i32>} : memref<128x128xf32, #tpu.memory_space<vmem>>, vector<1x16xf32>,
      %swap3A_73 = arith.index_cast %scan3A_42 : i32 to index
      %swap3A_74 = arith.constant 96 : index
      %swap3A_75 = tpu.vector_load %arg9[%swap3A_73, %swap3A_74] {strides = array<i32>} : memref<128x128xf32, #tpu.memory_space<vmem>>, vector<1x16xf32>,
      %swap3A_76 = vector.shape_cast %swap3A_75 : vector<1x16xf32> to vector<16xf32>
      %swap3A_77 = vector.shape_cast %broadcast_in_dim3A_1 : vector<16xf32> to vector<1x16xf32>
      tpu.vector_store %arg9[%swap3A_73, %swap3A_74], %swap3A_77 {strides = array<i32>} : memref<128x128xf32, #tpu.memory_space<vmem>>, vector<1x16xf32>,
      %swap3A_78 = arith.index_cast %scan3A_42 : i32 to index
      %swap3A_79 = arith.constant 112 : index
      %swap3A_80 = tpu.vector_load %arg9[%swap3A_78, %swap3A_79] {strides = array<i32>} : memref<128x128xf32, #tpu.memory_space<vmem>>, vector<1x16xf32>,
      %swap3A_81 = vector.shape_cast %swap3A_80 : vector<1x16xf32> to vector<16xf32>
      %swap3A_82 = vector.shape_cast %broadcast_in_dim3A_1 : vector<16xf32> to vector<1x16xf32>
      tpu.vector_store %arg9[%swap3A_78, %swap3A_79], %swap3A_82 {strides = array<i32>} : memref<128x128xf32, #tpu.memory_space<vmem>>, vector<1x16xf32>,
      %scan3A_83 = arith.constant 0 : i32
      scf.yield %scan3A_83 : i32
    }
    %scan3A_7 = arith.constant 128 : i32
    %mul3A_8 = arith.constant 640 : i32
    %mul3A_9 = arith.muli %arg1, %mul3A_8 : i32
    %add3A_10 = arith.constant 0 : i32
    %add3A_11 = arith.addi %mul3A_9, %add3A_10 : i32
    "tpu.region"() ({
      %run_scoped3A = tpu.sem_alloc : memref<!tpu.dma_semaphore, #tpu.memory_space<semaphore_mem>>
      %dma_start3A = arith.constant 0 : i32
      %dma_start3A_42 = tpu.memref_slice %arg10[%add3A_11, %dma_start3A] : memref<10240x128xf32, #tpu.memory_space<vmem_shared>> -> memref<128x128xf32, #tpu.memory_space<vmem_shared>>
      %dma_start3A_43 = arith.constant 0 : i32
      %dma_start3A_44 = tpu.memref_slice %arg10[%add3A_11, %dma_start3A_43] : memref<10240x128xf32, #tpu.memory_space<vmem_shared>> -> memref<128x128xf32, #tpu.memory_space<vmem_shared>>
      tpu.enqueue_dma source(%arg9 : memref<128x128xf32, #tpu.memory_space<vmem>>) target(%dma_start3A_44 : memref<128x128xf32, #tpu.memory_space<vmem_shared>>) target_semaphore(%run_scoped3A : memref<!tpu.dma_semaphore, #tpu.memory_space<semaphore_mem>>)
      %dma_wait3A = arith.constant 0 : i32
      %dma_wait3A_45 = tpu.memref_slice %arg10[%add3A_11, %dma_wait3A] : memref<10240x128xf32, #tpu.memory_space<vmem_shared>> -> memref<128x128xf32, #tpu.memory_space<vmem_shared>>
      %dma_wait3A_46 = arith.constant 0 : i32
      %dma_wait3A_47 = tpu.memref_slice %arg10[%add3A_11, %dma_wait3A_46] : memref<10240x128xf32, #tpu.memory_space<vmem_shared>> -> memref<128x128xf32, #tpu.memory_space<vmem_shared>>
      tpu.wait_dma2 semaphore(%run_scoped3A : memref<!tpu.dma_semaphore, #tpu.memory_space<semaphore_mem>>) src(%arg9 : memref<128x128xf32, #tpu.memory_space<vmem>>) dst(%dma_wait3A_47 : memref<128x128xf32, #tpu.memory_space<vmem_shared>>)
      tpu.yield
    }) : () -> ()
    %mul3A_12 = arith.constant 640 : i32
    %mul3A_13 = arith.muli %arg1, %mul3A_12 : i32
    %add3A_14 = arith.constant 128 : i32
    %add3A_15 = arith.addi %mul3A_13, %add3A_14 : i32
    "tpu.region"() ({
      %run_scoped3A = tpu.sem_alloc : memref<!tpu.dma_semaphore, #tpu.memory_space<semaphore_mem>>
      %dma_start3A = arith.constant 0 : i32
      %dma_start3A_42 = tpu.memref_slice %arg10[%add3A_15, %dma_start3A] : memref<10240x128xf32, #tpu.memory_space<vmem_shared>> -> memref<128x128xf32, #tpu.memory_space<vmem_shared>>
      %dma_start3A_43 = arith.constant 0 : i32
      %dma_start3A_44 = tpu.memref_slice %arg10[%add3A_15, %dma_start3A_43] : memref<10240x128xf32, #tpu.memory_space<vmem_shared>> -> memref<128x128xf32, #tpu.memory_space<vmem_shared>>
      tpu.enqueue_dma source(%arg9 : memref<128x128xf32, #tpu.memory_space<vmem>>) target(%dma_start3A_44 : memref<128x128xf32, #tpu.memory_space<vmem_shared>>) target_semaphore(%run_scoped3A : memref<!tpu.dma_semaphore, #tpu.memory_space<semaphore_mem>>)
      %dma_wait3A = arith.constant 0 : i32
      %dma_wait3A_45 = tpu.memref_slice %arg10[%add3A_15, %dma_wait3A] : memref<10240x128xf32, #tpu.memory_space<vmem_shared>> -> memref<128x128xf32, #tpu.memory_space<vmem_shared>>
      %dma_wait3A_46 = arith.constant 0 : i32
      %dma_wait3A_47 = tpu.memref_slice %arg10[%add3A_15, %dma_wait3A_46] : memref<10240x128xf32, #tpu.memory_space<vmem_shared>> -> memref<128x128xf32, #tpu.memory_space<vmem_shared>>
      tpu.wait_dma2 semaphore(%run_scoped3A : memref<!tpu.dma_semaphore, #tpu.memory_space<semaphore_mem>>) src(%arg9 : memref<128x128xf32, #tpu.memory_space<vmem>>) dst(%dma_wait3A_47 : memref<128x128xf32, #tpu.memory_space<vmem_shared>>)
      tpu.yield
    }) : () -> ()
    %mul3A_16 = arith.constant 640 : i32
    %mul3A_17 = arith.muli %arg1, %mul3A_16 : i32
    %add3A_18 = arith.constant 256 : i32
    %add3A_19 = arith.addi %mul3A_17, %add3A_18 : i32
    "tpu.region"() ({
      %run_scoped3A = tpu.sem_alloc : memref<!tpu.dma_semaphore, #tpu.memory_space<semaphore_mem>>
      %dma_start3A = arith.constant 0 : i32
      %dma_start3A_42 = tpu.memref_slice %arg10[%add3A_19, %dma_start3A] : memref<10240x128xf32, #tpu.memory_space<vmem_shared>> -> memref<128x128xf32, #tpu.memory_space<vmem_shared>>
      %dma_start3A_43 = arith.constant 0 : i32
      %dma_start3A_44 = tpu.memref_slice %arg10[%add3A_19, %dma_start3A_43] : memref<10240x128xf32, #tpu.memory_space<vmem_shared>> -> memref<128x128xf32, #tpu.memory_space<vmem_shared>>
      tpu.enqueue_dma source(%arg9 : memref<128x128xf32, #tpu.memory_space<vmem>>) target(%dma_start3A_44 : memref<128x128xf32, #tpu.memory_space<vmem_shared>>) target_semaphore(%run_scoped3A : memref<!tpu.dma_semaphore, #tpu.memory_space<semaphore_mem>>)
      %dma_wait3A = arith.constant 0 : i32
      %dma_wait3A_45 = tpu.memref_slice %arg10[%add3A_19, %dma_wait3A] : memref<10240x128xf32, #tpu.memory_space<vmem_shared>> -> memref<128x128xf32, #tpu.memory_space<vmem_shared>>
      %dma_wait3A_46 = arith.constant 0 : i32
      %dma_wait3A_47 = tpu.memref_slice %arg10[%add3A_19, %dma_wait3A_46] : memref<10240x128xf32, #tpu.memory_space<vmem_shared>> -> memref<128x128xf32, #tpu.memory_space<vmem_shared>>
      tpu.wait_dma2 semaphore(%run_scoped3A : memref<!tpu.dma_semaphore, #tpu.memory_space<semaphore_mem>>) src(%arg9 : memref<128x128xf32, #tpu.memory_space<vmem>>) dst(%dma_wait3A_47 : memref<128x128xf32, #tpu.memory_space<vmem_shared>>)
      tpu.yield
    }) : () -> ()
    %mul3A_20 = arith.constant 640 : i32
    %mul3A_21 = arith.muli %arg1, %mul3A_20 : i32
    %add3A_22 = arith.constant 384 : i32
    %add3A_23 = arith.addi %mul3A_21, %add3A_22 : i32
    "tpu.region"() ({
      %run_scoped3A = tpu.sem_alloc : memref<!tpu.dma_semaphore, #tpu.memory_space<semaphore_mem>>
      %dma_start3A = arith.constant 0 : i32
      %dma_start3A_42 = tpu.memref_slice %arg10[%add3A_23, %dma_start3A] : memref<10240x128xf32, #tpu.memory_space<vmem_shared>> -> memref<128x128xf32, #tpu.memory_space<vmem_shared>>
      %dma_start3A_43 = arith.constant 0 : i32
      %dma_start3A_44 = tpu.memref_slice %arg10[%add3A_23, %dma_start3A_43] : memref<10240x128xf32, #tpu.memory_space<vmem_shared>> -> memref<128x128xf32, #tpu.memory_space<vmem_shared>>
      tpu.enqueue_dma source(%arg9 : memref<128x128xf32, #tpu.memory_space<vmem>>) target(%dma_start3A_44 : memref<128x128xf32, #tpu.memory_space<vmem_shared>>) target_semaphore(%run_scoped3A : memref<!tpu.dma_semaphore, #tpu.memory_space<semaphore_mem>>)
      %dma_wait3A = arith.constant 0 : i32
      %dma_wait3A_45 = tpu.memref_slice %arg10[%add3A_23, %dma_wait3A] : memref<10240x128xf32, #tpu.memory_space<vmem_shared>> -> memref<128x128xf32, #tpu.memory_space<vmem_shared>>
      %dma_wait3A_46 = arith.constant 0 : i32
      %dma_wait3A_47 = tpu.memref_slice %arg10[%add3A_23, %dma_wait3A_46] : memref<10240x128xf32, #tpu.memory_space<vmem_shared>> -> memref<128x128xf32, #tpu.memory_space<vmem_shared>>
      tpu.wait_dma2 semaphore(%run_scoped3A : memref<!tpu.dma_semaphore, #tpu.memory_space<semaphore_mem>>) src(%arg9 : memref<128x128xf32, #tpu.memory_space<vmem>>) dst(%dma_wait3A_47 : memref<128x128xf32, #tpu.memory_space<vmem_shared>>)
      tpu.yield
    }) : () -> ()
    %mul3A_24 = arith.constant 640 : i32
    %mul3A_25 = arith.muli %arg1, %mul3A_24 : i32
    %add3A_26 = arith.constant 512 : i32
    %add3A_27 = arith.addi %mul3A_25, %add3A_26 : i32
    "tpu.region"() ({
      %run_scoped3A = tpu.sem_alloc : memref<!tpu.dma_semaphore, #tpu.memory_space<semaphore_mem>>
      %dma_start3A = arith.constant 0 : i32
      %dma_start3A_42 = tpu.memref_slice %arg10[%add3A_27, %dma_start3A] : memref<10240x128xf32, #tpu.memory_space<vmem_shared>> -> memref<128x128xf32, #tpu.memory_space<vmem_shared>>
      %dma_start3A_43 = arith.constant 0 : i32
      %dma_start3A_44 = tpu.memref_slice %arg10[%add3A_27, %dma_start3A_43] : memref<10240x128xf32, #tpu.memory_space<vmem_shared>> -> memref<128x128xf32, #tpu.memory_space<vmem_shared>>
      tpu.enqueue_dma source(%arg9 : memref<128x128xf32, #tpu.memory_space<vmem>>) target(%dma_start3A_44 : memref<128x128xf32, #tpu.memory_space<vmem_shared>>) target_semaphore(%run_scoped3A : memref<!tpu.dma_semaphore, #tpu.memory_space<semaphore_mem>>)
      %dma_wait3A = arith.constant 0 : i32
      %dma_wait3A_45 = tpu.memref_slice %arg10[%add3A_27, %dma_wait3A] : memref<10240x128xf32, #tpu.memory_space<vmem_shared>> -> memref<128x128xf32, #tpu.memory_space<vmem_shared>>
      %dma_wait3A_46 = arith.constant 0 : i32
      %dma_wait3A_47 = tpu.memref_slice %arg10[%add3A_27, %dma_wait3A_46] : memref<10240x128xf32, #tpu.memory_space<vmem_shared>> -> memref<128x128xf32, #tpu.memory_space<vmem_shared>>
      tpu.wait_dma2 semaphore(%run_scoped3A : memref<!tpu.dma_semaphore, #tpu.memory_space<semaphore_mem>>) src(%arg9 : memref<128x128xf32, #tpu.memory_space<vmem>>) dst(%dma_wait3A_47 : memref<128x128xf32, #tpu.memory_space<vmem_shared>>)
      tpu.yield
    }) : () -> ()
    %barrier3A = arith.constant 0 : index
    tpu.barrier barrier_id(%barrier3A)
    %mul3A_28 = arith.constant 10000 : i32
    %mul3A_29 = arith.muli %add3A, %mul3A_28 : i32
    %scan3A_30 = arith.constant 0 : i32
    %scan3A_31 = arith.constant 0 : i32
    %scan3A_32 = arith.constant 125 : i32
    %scan3A_33 = arith.addi %scan3A_31, %scan3A_32 : i32
    %scan3A_34 = arith.constant 1 : i32
    %scan3A_35 = scf.for %scan3A_42 = %scan3A_31 to %scan3A_33 step %scan3A_34 iter_args(%scan3A_43 = %scan3A_30) -> (i32)  : i32 {
      %mul3A_44 = arith.constant 80 : i32
      %mul3A_45 = arith.muli %scan3A_42, %mul3A_44 : i32
      %add3A_46 = arith.addi %mul3A_29, %mul3A_45 : i32
      "tpu.region"() ({
        %run_scoped3A = tpu.sem_alloc : memref<!tpu.dma_semaphore, #tpu.memory_space<semaphore_mem>>
        %dma_start3A_52 = tpu.memref_slice %arg3[%add3A_46] : memref<320000xi32, #tpu.memory_space<hbm>> -> memref<80xi32, #tpu.memory_space<hbm>>
        %dma_start3A_53 = tpu.memref_slice %arg3[%add3A_46] : memref<320000xi32, #tpu.memory_space<hbm>> -> memref<80xi32, #tpu.memory_space<hbm>>
        tpu.enqueue_dma source(%dma_start3A_53 : memref<80xi32, #tpu.memory_space<hbm>>) target(%arg6 : memref<80xi32, #tpu.memory_space<vmem>>) target_semaphore(%run_scoped3A : memref<!tpu.dma_semaphore, #tpu.memory_space<semaphore_mem>>)
        %dma_wait3A_54 = tpu.memref_slice %arg3[%add3A_46] : memref<320000xi32, #tpu.memory_space<hbm>> -> memref<80xi32, #tpu.memory_space<hbm>>
        %dma_wait3A_55 = tpu.memref_slice %arg3[%add3A_46] : memref<320000xi32, #tpu.memory_space<hbm>> -> memref<80xi32, #tpu.memory_space<hbm>>
        tpu.wait_dma2 semaphore(%run_scoped3A : memref<!tpu.dma_semaphore, #tpu.memory_space<semaphore_mem>>) src(%dma_wait3A_55 : memref<80xi32, #tpu.memory_space<hbm>>) dst(%arg6 : memref<80xi32, #tpu.memory_space<vmem>>)
        tpu.yield
      }) : () -> ()
      "tpu.region"() ({
        %run_scoped3A = tpu.sem_alloc : memref<!tpu.dma_semaphore, #tpu.memory_space<semaphore_mem>>
        %dma_start3A_52 = tpu.memref_slice %arg4[%add3A_46] : memref<320000xi32, #tpu.memory_space<hbm>> -> memref<80xi32, #tpu.memory_space<hbm>>
        %dma_start3A_53 = tpu.memref_slice %arg4[%add3A_46] : memref<320000xi32, #tpu.memory_space<hbm>> -> memref<80xi32, #tpu.memory_space<hbm>>
        tpu.enqueue_dma source(%dma_start3A_53 : memref<80xi32, #tpu.memory_space<hbm>>) target(%arg7 : memref<80xi32, #tpu.memory_space<vmem>>) target_semaphore(%run_scoped3A : memref<!tpu.dma_semaphore, #tpu.memory_space<semaphore_mem>>)
        %dma_wait3A_54 = tpu.memref_slice %arg4[%add3A_46] : memref<320000xi32, #tpu.memory_space<hbm>> -> memref<80xi32, #tpu.memory_space<hbm>>
        %dma_wait3A_55 = tpu.memref_slice %arg4[%add3A_46] : memref<320000xi32, #tpu.memory_space<hbm>> -> memref<80xi32, #tpu.memory_space<hbm>>
        tpu.wait_dma2 semaphore(%run_scoped3A : memref<!tpu.dma_semaphore, #tpu.memory_space<semaphore_mem>>) src(%dma_wait3A_55 : memref<80xi32, #tpu.memory_space<hbm>>) dst(%arg7 : memref<80xi32, #tpu.memory_space<vmem>>)
        tpu.yield
      }) : () -> ()
      %dma_start3A = arith.constant 0 : i32
      %dma_start3A_47 = arith.constant 0 : i32
      %dma_start3A_48 = tpu.memref_slice %arg2[%dma_start3A, %dma_start3A_47] : memref<10000x128xf32, #tpu.memory_space<hbm>> -> memref<10000x128xf32, #tpu.memory_space<hbm>>
      tpu.enqueue_indirect_dma source(%dma_start3A_48 : memref<10000x128xf32, #tpu.memory_space<hbm>>) target(%arg8 : memref<80x128xf32, #tpu.memory_space<vmem>>) offsets(%arg6 : memref<80xi32, #tpu.memory_space<vmem>>) semaphore(%arg11 : memref<!tpu.dma_semaphore, #tpu.memory_space<semaphore_mem>>)
      %dma_wait3A = arith.constant 0 : i32
      %dma_wait3A_49 = arith.constant 0 : i32
      %dma_wait3A_50 = tpu.memref_slice %arg2[%dma_wait3A, %dma_wait3A_49] : memref<10000x128xf32, #tpu.memory_space<hbm>> -> memref<10000x128xf32, #tpu.memory_space<hbm>>
      tpu.wait_indirect_dma semaphore(%arg11 : memref<!tpu.dma_semaphore, #tpu.memory_space<semaphore_mem>>) src(%dma_wait3A_50 : memref<10000x128xf32, #tpu.memory_space<hbm>>) dst(%arg8 : memref<80x128xf32, #tpu.memory_space<vmem>>)
      "tpu.region"() ({
        %run_scoped3A = tpu.sem_alloc : memref<!tpu.dma_semaphore, #tpu.memory_space<semaphore_mem>>
        %dma_start3A_52 = arith.constant 0 : i32
        %dma_start3A_53 = arith.constant 0 : i32
        %dma_start3A_54 = tpu.memref_slice %arg10[%dma_start3A_52, %dma_start3A_53] : memref<10240x128xf32, #tpu.memory_space<vmem_shared>> -> memref<10240x128xf32, #tpu.memory_space<vmem_shared>>
        tpu.enqueue_indirect_dma source(%arg8 : memref<80x128xf32, #tpu.memory_space<vmem>>) target(%dma_start3A_54 : memref<10240x128xf32, #tpu.memory_space<vmem_shared>>) offsets(%arg7 : memref<80xi32, #tpu.memory_space<vmem>>) semaphore(%run_scoped3A : memref<!tpu.dma_semaphore, #tpu.memory_space<semaphore_mem>>) {add = true}
        %dma_wait3A_55 = arith.constant 0 : i32
        %dma_wait3A_56 = arith.constant 0 : i32
        %dma_wait3A_57 = tpu.memref_slice %arg10[%dma_wait3A_55, %dma_wait3A_56] : memref<10240x128xf32, #tpu.memory_space<vmem_shared>> -> memref<10240x128xf32, #tpu.memory_space<vmem_shared>>
        tpu.wait_indirect_dma semaphore(%run_scoped3A : memref<!tpu.dma_semaphore, #tpu.memory_space<semaphore_mem>>) src(%arg8 : memref<80x128xf32, #tpu.memory_space<vmem>>) dst(%dma_wait3A_57 : memref<10240x128xf32, #tpu.memory_space<vmem_shared>>)
        tpu.yield
      }) : () -> ()
      %scan3A_51 = arith.constant 0 : i32
      scf.yield %scan3A_51 : i32
    }
    %scan3A_36 = arith.constant 125 : i32
    %barrier3A_37 = arith.constant 0 : index
    tpu.barrier barrier_id(%barrier3A_37)
    %mul3A_38 = arith.constant 640 : i32
    %mul3A_39 = arith.muli %arg1, %mul3A_38 : i32
    %mul3A_40 = arith.constant 640 : i32
    %mul3A_41 = arith.muli %arg1, %mul3A_40 : i32
    "tpu.region"() ({
      %run_scoped3A = tpu.sem_alloc : memref<!tpu.dma_semaphore, #tpu.memory_space<semaphore_mem>>
      %dma_start3A = arith.constant 0 : i32
      %dma_start3A_42 = tpu.memref_slice %arg5[%arg0, %mul3A_41, %dma_start3A] : memref<2x10240x128xf32, #tpu.memory_space<hbm>> -> memref<1x640x128xf32, #tpu.memory_space<hbm>>
      %dma_start3A_43 = tpu.memref_squeeze %dma_start3A_42 : memref<1x640x128xf32, #tpu.memory_space<hbm>> -> memref<640x128xf32, #tpu.memory_space<hbm>>
      %dma_start3A_44 = arith.constant 0 : i32
      %dma_start3A_45 = tpu.memref_slice %arg10[%mul3A_39, %dma_start3A_44] : memref<10240x128xf32, #tpu.memory_space<vmem_shared>> -> memref<640x128xf32, #tpu.memory_space<vmem_shared>>
      tpu.enqueue_dma source(%dma_start3A_45 : memref<640x128xf32, #tpu.memory_space<vmem_shared>>) target(%dma_start3A_43 : memref<640x128xf32, #tpu.memory_space<hbm>>) target_semaphore(%run_scoped3A : memref<!tpu.dma_semaphore, #tpu.memory_space<semaphore_mem>>)
      %dma_wait3A = arith.constant 0 : i32
      %dma_wait3A_46 = tpu.memref_slice %arg5[%arg0, %mul3A_41, %dma_wait3A] : memref<2x10240x128xf32, #tpu.memory_space<hbm>> -> memref<1x640x128xf32, #tpu.memory_space<hbm>>
      %dma_wait3A_47 = tpu.memref_squeeze %dma_wait3A_46 : memref<1x640x128xf32, #tpu.memory_space<hbm>> -> memref<640x128xf32, #tpu.memory_space<hbm>>
      %dma_wait3A_48 = arith.constant 0 : i32
      %dma_wait3A_49 = tpu.memref_slice %arg10[%mul3A_39, %dma_wait3A_48] : memref<10240x128xf32, #tpu.memory_space<vmem_shared>> -> memref<640x128xf32, #tpu.memory_space<vmem_shared>>
      tpu.wait_dma2 semaphore(%run_scoped3A : memref<!tpu.dma_semaphore, #tpu.memory_space<semaphore_mem>>) src(%dma_wait3A_49 : memref<640x128xf32, #tpu.memory_space<vmem_shared>>) dst(%dma_wait3A_47 : memref<640x128xf32, #tpu.memory_space<hbm>>)
      tpu.yield
    }) : () -> ()
    return
  }
}

module attributes {stable_mosaic.version = 14 : i64} {
  func.func @_tc_layer_body(%arg0: i32, %arg1: memref<2x1000x128xf32, #tpu.memory_space<vmem>>, %arg2: memref<1000x1xf32, #tpu.memory_space<vmem>>, %arg3: memref<128x128xf32, #tpu.memory_space<vmem>>, %arg4: memref<1x128xf32, #tpu.memory_space<vmem>>, %arg5: memref<1000x128xf32, #tpu.memory_space<vmem>>) attributes {dimension_semantics = [#tpu.dimension_semantics<arbitrary>], iteration_bounds = array<i64: 10>, scalar_prefetch = 0 : i64, scratch_operands = 0 : i64, tpu.core_type = #tpu.core_type<tc>, window_params = [{transform_indices = @transform_0, window_bounds = array<i64: 2, 1000, 128>}, {transform_indices = @transform_1, window_bounds = array<i64: 1000, 1>}, {pipeline_mode = #tpu.pipeline_mode<synchronous>, transform_indices = @transform_2, window_bounds = array<i64: 128, 128>}, {pipeline_mode = #tpu.pipeline_mode<synchronous>, transform_indices = @transform_3, window_bounds = array<i64: 1, 128>}, {transform_indices = @transform_4, window_bounds = array<i64: 1000, 128>}]} {
    %get3A = arith.constant 0 : index
    %get3A_0 = arith.constant 0 : index
    %get3A_1 = arith.constant 0 : index
    %get3A_2 = vector.load %arg1[%get3A, %get3A_0, %get3A_1] : memref<2x1000x128xf32, #tpu.memory_space<vmem>>, vector<1x1000x128xf32>
    %get3A_3 = vector.shape_cast %get3A_2 : vector<1x1000x128xf32> to vector<1000x128xf32>
    %get3A_4 = arith.constant 1 : index
    %get3A_5 = arith.constant 0 : index
    %get3A_6 = arith.constant 0 : index
    %get3A_7 = vector.load %arg1[%get3A_4, %get3A_5, %get3A_6] : memref<2x1000x128xf32, #tpu.memory_space<vmem>>, vector<1x1000x128xf32>
    %get3A_8 = vector.shape_cast %get3A_7 : vector<1x1000x128xf32> to vector<1000x128xf32>
    %add3A = arith.addf %get3A_3, %get3A_8 : vector<1000x128xf32>
    %get3A_9 = arith.constant 0 : index
    %get3A_10 = arith.constant 0 : index
    %get3A_11 = vector.load %arg2[%get3A_9, %get3A_10] : memref<1000x1xf32, #tpu.memory_space<vmem>>, vector<1000x1xf32>
    %mul3A = vector.broadcast %get3A_11 : vector<1000x1xf32> to vector<1000x128xf32>
    %mul3A_12 = arith.mulf %add3A, %mul3A : vector<1000x128xf32>
    %get3A_13 = arith.constant 0 : index
    %get3A_14 = arith.constant 0 : index
    %get3A_15 = vector.load %arg3[%get3A_13, %get3A_14] : memref<128x128xf32, #tpu.memory_space<vmem>>, vector<128x128xf32>
    %dot_general3A = arith.constant dense<0.000000e+00> : vector<1000x128xf32>
    %dot_general3A_16 = tpu.matmul %mul3A_12, %get3A_15, %dot_general3A {dimension_numbers = #tpu.dot_dimension_numbers<[1], [0], [0], [1], [0, 0, 1, 1], [], []>, transpose_lhs_hint = false} : vector<1000x128xf32>, vector<128x128xf32>, vector<1000x128xf32> -> vector<1000x128xf32>
    %get3A_17 = arith.constant 0 : index
    %get3A_18 = arith.constant 0 : index
    %get3A_19 = vector.load %arg4[%get3A_17, %get3A_18] : memref<1x128xf32, #tpu.memory_space<vmem>>, vector<1x128xf32>
    %add3A_20 = vector.broadcast %get3A_19 : vector<1x128xf32> to vector<1000x128xf32>
    %add3A_21 = arith.addf %dot_general3A_16, %add3A_20 : vector<1000x128xf32>
    %max3A = arith.constant 0.000000e+00 : f32
    %max3A_22 = vector.broadcast %max3A : f32 to vector<1000x128xf32>
    %max3A_23 = arith.maximumf %add3A_21, %max3A_22 : vector<1000x128xf32>
    %swap3A = arith.constant 0 : index
    %swap3A_24 = arith.constant 0 : index
    %swap3A_25 = vector.load %arg5[%swap3A, %swap3A_24] : memref<1000x128xf32, #tpu.memory_space<vmem>>, vector<1000x128xf32>
    tpu.vector_store %arg5[%swap3A, %swap3A_24], %max3A_23 {strides = array<i32>} : memref<1000x128xf32, #tpu.memory_space<vmem>>, vector<1000x128xf32>,
    return
  }
  func.func @transform_0(%arg0: i32) -> (i32, i32, i32) {
    %c0_i32 = arith.constant 0 : i32
    %c0_i32_0 = arith.constant 0 : i32
    %c0_i32_1 = arith.constant 0 : i32
    return %c0_i32, %arg0, %c0_i32_0 : i32, i32, i32
  }
  func.func @transform_1(%arg0: i32) -> (i32, i32) {
    %c0_i32 = arith.constant 0 : i32
    %c0_i32_0 = arith.constant 0 : i32
    return %arg0, %c0_i32 : i32, i32
  }
  func.func @transform_2(%arg0: i32) -> (i32, i32) {
    %c0_i32 = arith.constant 0 : i32
    %c0_i32_0 = arith.constant 0 : i32
    %c0_i32_1 = arith.constant 0 : i32
    return %c0_i32, %c0_i32_0 : i32, i32
  }
  func.func @transform_3(%arg0: i32) -> (i32, i32) {
    %c0_i32 = arith.constant 0 : i32
    %c0_i32_0 = arith.constant 0 : i32
    %c0_i32_1 = arith.constant 0 : i32
    return %c0_i32, %c0_i32_0 : i32, i32
  }
  func.func @transform_4(%arg0: i32) -> (i32, i32) {
    %c0_i32 = arith.constant 0 : i32
    %c0_i32_0 = arith.constant 0 : i32
    return %arg0, %c0_i32 : i32, i32
  }
}

module attributes {stable_mosaic.version = 14 : i64} {
  func.func @_tc_layer_body(%arg0: i32, %arg1: memref<2x1000x128xf32, #tpu.memory_space<vmem>>, %arg2: memref<1000x1xf32, #tpu.memory_space<vmem>>, %arg3: memref<128x128xf32, #tpu.memory_space<vmem>>, %arg4: memref<1x128xf32, #tpu.memory_space<vmem>>, %arg5: memref<1000x128xf32, #tpu.memory_space<vmem>>) attributes {dimension_semantics = [#tpu.dimension_semantics<arbitrary>], iteration_bounds = array<i64: 10>, scalar_prefetch = 0 : i64, scratch_operands = 0 : i64, tpu.core_type = #tpu.core_type<tc>, window_params = [{transform_indices = @transform_0, window_bounds = array<i64: 2, 1000, 128>}, {transform_indices = @transform_1, window_bounds = array<i64: 1000, 1>}, {pipeline_mode = #tpu.pipeline_mode<synchronous>, transform_indices = @transform_2, window_bounds = array<i64: 128, 128>}, {pipeline_mode = #tpu.pipeline_mode<synchronous>, transform_indices = @transform_3, window_bounds = array<i64: 1, 128>}, {transform_indices = @transform_4, window_bounds = array<i64: 1000, 128>}]} {
    %get3A = arith.constant 0 : index
    %get3A_0 = arith.constant 0 : index
    %get3A_1 = arith.constant 0 : index
    %get3A_2 = vector.load %arg1[%get3A, %get3A_0, %get3A_1] : memref<2x1000x128xf32, #tpu.memory_space<vmem>>, vector<1x1000x128xf32>
    %get3A_3 = vector.shape_cast %get3A_2 : vector<1x1000x128xf32> to vector<1000x128xf32>
    %get3A_4 = arith.constant 1 : index
    %get3A_5 = arith.constant 0 : index
    %get3A_6 = arith.constant 0 : index
    %get3A_7 = vector.load %arg1[%get3A_4, %get3A_5, %get3A_6] : memref<2x1000x128xf32, #tpu.memory_space<vmem>>, vector<1x1000x128xf32>
    %get3A_8 = vector.shape_cast %get3A_7 : vector<1x1000x128xf32> to vector<1000x128xf32>
    %add3A = arith.addf %get3A_3, %get3A_8 : vector<1000x128xf32>
    %get3A_9 = arith.constant 0 : index
    %get3A_10 = arith.constant 0 : index
    %get3A_11 = vector.load %arg2[%get3A_9, %get3A_10] : memref<1000x1xf32, #tpu.memory_space<vmem>>, vector<1000x1xf32>
    %mul3A = vector.broadcast %get3A_11 : vector<1000x1xf32> to vector<1000x128xf32>
    %mul3A_12 = arith.mulf %add3A, %mul3A : vector<1000x128xf32>
    %get3A_13 = arith.constant 0 : index
    %get3A_14 = arith.constant 0 : index
    %get3A_15 = vector.load %arg3[%get3A_13, %get3A_14] : memref<128x128xf32, #tpu.memory_space<vmem>>, vector<128x128xf32>
    %dot_general3A = arith.constant dense<0.000000e+00> : vector<1000x128xf32>
    %dot_general3A_16 = tpu.matmul %mul3A_12, %get3A_15, %dot_general3A {dimension_numbers = #tpu.dot_dimension_numbers<[1], [0], [0], [1], [0, 0, 1, 1], [], []>, transpose_lhs_hint = false} : vector<1000x128xf32>, vector<128x128xf32>, vector<1000x128xf32> -> vector<1000x128xf32>
    %get3A_17 = arith.constant 0 : index
    %get3A_18 = arith.constant 0 : index
    %get3A_19 = vector.load %arg4[%get3A_17, %get3A_18] : memref<1x128xf32, #tpu.memory_space<vmem>>, vector<1x128xf32>
    %add3A_20 = vector.broadcast %get3A_19 : vector<1x128xf32> to vector<1000x128xf32>
    %add3A_21 = arith.addf %dot_general3A_16, %add3A_20 : vector<1000x128xf32>
    %max3A = arith.constant 0.000000e+00 : f32
    %max3A_22 = vector.broadcast %max3A : f32 to vector<1000x128xf32>
    %max3A_23 = arith.maximumf %add3A_21, %max3A_22 : vector<1000x128xf32>
    %get3A_24 = arith.constant 0 : index
    %get3A_25 = arith.constant 0 : index
    %get3A_26 = vector.load %arg2[%get3A_24, %get3A_25] : memref<1000x1xf32, #tpu.memory_space<vmem>>, vector<1000x1xf32>
    %mul3A_27 = vector.broadcast %get3A_26 : vector<1000x1xf32> to vector<1000x128xf32>
    %mul3A_28 = arith.mulf %max3A_23, %mul3A_27 : vector<1000x128xf32>
    %swap3A = arith.constant 0 : index
    %swap3A_29 = arith.constant 0 : index
    %swap3A_30 = vector.load %arg5[%swap3A, %swap3A_29] : memref<1000x128xf32, #tpu.memory_space<vmem>>, vector<1000x128xf32>
    tpu.vector_store %arg5[%swap3A, %swap3A_29], %mul3A_28 {strides = array<i32>} : memref<1000x128xf32, #tpu.memory_space<vmem>>, vector<1000x128xf32>,
    return
  }
  func.func @transform_0(%arg0: i32) -> (i32, i32, i32) {
    %c0_i32 = arith.constant 0 : i32
    %c0_i32_0 = arith.constant 0 : i32
    %c0_i32_1 = arith.constant 0 : i32
    return %c0_i32, %arg0, %c0_i32_0 : i32, i32, i32
  }
  func.func @transform_1(%arg0: i32) -> (i32, i32) {
    %c0_i32 = arith.constant 0 : i32
    %c0_i32_0 = arith.constant 0 : i32
    return %arg0, %c0_i32 : i32, i32
  }
  func.func @transform_2(%arg0: i32) -> (i32, i32) {
    %c0_i32 = arith.constant 0 : i32
    %c0_i32_0 = arith.constant 0 : i32
    %c0_i32_1 = arith.constant 0 : i32
    return %c0_i32, %c0_i32_0 : i32, i32
  }
  func.func @transform_3(%arg0: i32) -> (i32, i32) {
    %c0_i32 = arith.constant 0 : i32
    %c0_i32_0 = arith.constant 0 : i32
    %c0_i32_1 = arith.constant 0 : i32
    return %c0_i32, %c0_i32_0 : i32, i32
  }
  func.func @transform_4(%arg0: i32) -> (i32, i32) {
    %c0_i32 = arith.constant 0 : i32
    %c0_i32_0 = arith.constant 0 : i32
    return %arg0, %c0_i32 : i32, i32
  }
}

module attributes {stable_mosaic.version = 14 : i64} {
  func.func @_tc0_body(%arg0: i32, %arg1: memref<2x1000x128xf32, #tpu.memory_space<vmem>>, %arg2: memref<1000x128xf32, #tpu.memory_space<vmem>>, %arg3: memref<128x128xf32, #tpu.memory_space<vmem>>, %arg4: memref<1000x128xf32, #tpu.memory_space<vmem>>, %arg5: memref<1000x1xf32, #tpu.memory_space<vmem>>) attributes {dimension_semantics = [#tpu.dimension_semantics<arbitrary>], iteration_bounds = array<i64: 10>, scalar_prefetch = 0 : i64, scratch_operands = 0 : i64, tpu.core_type = #tpu.core_type<tc>, window_params = [{transform_indices = @transform_0, window_bounds = array<i64: 2, 1000, 128>}, {transform_indices = @transform_1, window_bounds = array<i64: 1000, 128>}, {pipeline_mode = #tpu.pipeline_mode<synchronous>, transform_indices = @transform_2, window_bounds = array<i64: 128, 128>}, {transform_indices = @transform_3, window_bounds = array<i64: 1000, 128>}, {transform_indices = @transform_4, window_bounds = array<i64: 1000, 1>}]} {
    %get3A = arith.constant 0 : index
    %get3A_0 = arith.constant 0 : index
    %get3A_1 = arith.constant 0 : index
    %get3A_2 = vector.load %arg1[%get3A, %get3A_0, %get3A_1] : memref<2x1000x128xf32, #tpu.memory_space<vmem>>, vector<1x1000x1xf32>
    %get3A_3 = vector.shape_cast %get3A_2 : vector<1x1000x1xf32> to vector<1000xf32>
    %get3A_4 = arith.constant 1 : index
    %get3A_5 = arith.constant 0 : index
    %get3A_6 = arith.constant 0 : index
    %get3A_7 = vector.load %arg1[%get3A_4, %get3A_5, %get3A_6] : memref<2x1000x128xf32, #tpu.memory_space<vmem>>, vector<1x1000x1xf32>
    %get3A_8 = vector.shape_cast %get3A_7 : vector<1x1000x1xf32> to vector<1000xf32>
    %add3A = arith.addf %get3A_3, %get3A_8 : vector<1000xf32>
    %max3A = arith.constant 1.000000e+00 : f32
    %max3A_9 = vector.broadcast %max3A : f32 to vector<1000xf32>
    %max3A_10 = arith.maximumf %add3A, %max3A_9 : vector<1000xf32>
    %rsqrt3A = math.rsqrt %max3A_10 : vector<1000xf32>
    %get3A_11 = arith.constant 0 : index
    %get3A_12 = arith.constant 0 : index
    %get3A_13 = vector.load %arg2[%get3A_11, %get3A_12] : memref<1000x128xf32, #tpu.memory_space<vmem>>, vector<1000x128xf32>
    %get3A_14 = arith.constant 0 : index
    %get3A_15 = arith.constant 0 : index
    %get3A_16 = vector.load %arg3[%get3A_14, %get3A_15] : memref<128x128xf32, #tpu.memory_space<vmem>>, vector<128x128xf32>
    %dot_general3A = arith.constant dense<0.000000e+00> : vector<1000x128xf32>
    %dot_general3A_17 = tpu.matmul %get3A_13, %get3A_16, %dot_general3A {dimension_numbers = #tpu.dot_dimension_numbers<[1], [0], [0], [1], [0, 0, 1, 1], [], []>, transpose_lhs_hint = false} : vector<1000x128xf32>, vector<128x128xf32>, vector<1000x128xf32> -> vector<1000x128xf32>
    %broadcast_in_dim3A = vector.shape_cast %rsqrt3A : vector<1000xf32> to vector<1000x1xf32>
    %mul3A = vector.broadcast %broadcast_in_dim3A : vector<1000x1xf32> to vector<1000x128xf32>
    %mul3A_18 = arith.mulf %dot_general3A_17, %mul3A : vector<1000x128xf32>
    %swap3A = arith.constant 0 : index
    %swap3A_19 = arith.constant 0 : index
    %swap3A_20 = vector.load %arg4[%swap3A, %swap3A_19] : memref<1000x128xf32, #tpu.memory_space<vmem>>, vector<1000x128xf32>
    tpu.vector_store %arg4[%swap3A, %swap3A_19], %mul3A_18 {strides = array<i32>} : memref<1000x128xf32, #tpu.memory_space<vmem>>, vector<1000x128xf32>,
    %broadcast_in_dim3A_21 = vector.shape_cast %rsqrt3A : vector<1000xf32> to vector<1000x1xf32>
    %swap3A_22 = arith.constant 0 : index
    %swap3A_23 = arith.constant 0 : index
    %swap3A_24 = vector.load %arg5[%swap3A_22, %swap3A_23] : memref<1000x1xf32, #tpu.memory_space<vmem>>, vector<1000x1xf32>
    tpu.vector_store %arg5[%swap3A_22, %swap3A_23], %broadcast_in_dim3A_21 {strides = array<i32>} : memref<1000x1xf32, #tpu.memory_space<vmem>>, vector<1000x1xf32>,
    return
  }
  func.func @transform_0(%arg0: i32) -> (i32, i32, i32) {
    %c0_i32 = arith.constant 0 : i32
    %c0_i32_0 = arith.constant 0 : i32
    %c0_i32_1 = arith.constant 0 : i32
    return %c0_i32, %arg0, %c0_i32_0 : i32, i32, i32
  }
  func.func @transform_1(%arg0: i32) -> (i32, i32) {
    %c0_i32 = arith.constant 0 : i32
    %c0_i32_0 = arith.constant 0 : i32
    return %arg0, %c0_i32 : i32, i32
  }
  func.func @transform_2(%arg0: i32) -> (i32, i32) {
    %c0_i32 = arith.constant 0 : i32
    %c0_i32_0 = arith.constant 0 : i32
    %c0_i32_1 = arith.constant 0 : i32
    return %c0_i32, %c0_i32_0 : i32, i32
  }
  func.func @transform_3(%arg0: i32) -> (i32, i32) {
    %c0_i32 = arith.constant 0 : i32
    %c0_i32_0 = arith.constant 0 : i32
    return %arg0, %c0_i32 : i32, i32
  }
  func.func @transform_4(%arg0: i32) -> (i32, i32) {
    %c0_i32 = arith.constant 0 : i32
    %c0_i32_0 = arith.constant 0 : i32
    return %arg0, %c0_i32 : i32, i32
  }
}

</mosaic_0001>

<sc_bundles>
// kernel: kernel.10.cloned.1.call-start
scs
__scs_entry_jumppad:
0x0: {  	(pc) =	sbr.rel $0x88, $3  }
0x1: {  	(tag) =	ssettag $0x0;
	lr =	simm.s32 $0x1  }
0x2: {  	[smem:$0x3F98] =	sst lr;
	_ =	strace $0xD0000000  }
0x3: {  	_ = 	snop  }
0x4: {  	_ = 	snop  }
0x5: {  	_ = 	snop  }
0x6: {  	_ = 	snop  }
0x7: {  	_ = 	snop  }
__scs_overlays_trampoline_lowered:
0x8: {  	[smem:$0x3FA7] =	sst s0  }
0x9: {  	[smem:$0x3FA8] =	sst s1  }
0xa: {  	[smem:$0x3FA9] =	sst s2  }
0xb: {  	[smem:$0x3FAA] =	sst s3  }
0xc: {  	[smem:$0x3FAB] =	sst s4  }
0xd: {  	[smem:$0x3FAC] =	sst s5  }
0xe: {  	[smem:$0x3FAD] =	sst s6  }
0xf: {  	[smem:$0x3FAE] =	sst s7  }
0x10: {  	[smem:$0x3FAF] =	sst s8  }
0x11: {  	[smem:$0x3FB0] =	sst s9;
	s0 =	simm.s32 @!p0 $0x0  }
0x12: {  	s1 =	sld [smem:$0x3F96];
	s0 =	simm.s32 @p0 $0x1  }
0x13: {  	[smem:$0x3FB1] =	sst s0;
	s0 =	simm.s32 @!p1 $0x0  }
0x14: {  	s2 =	sld [smem:$0x3F95];
	s0 =	simm.s32 @p1 $0x1  }
0x15: {  	[smem:$0x3FB2] =	sst s0;
	s0 =	simm.s32 @!p2 $0x0  }
0x16: {  	s3 =	sld [smem:$0x3FDB];
	s0 =	simm.s32 @p2 $0x1  }
0x17: {  	s4 =	simm.s32 $0x1BF5;
	[smem:$0x3FB4] =	sst s0  }
0x18: {  	s0 =	sld [smem:$0x3F97];
	_ =	swait.ge [sflag:s4], $0x0  }
0x19: {  	s7 =	sld [smem:$0x3F98]  }
0x1a: {  	s8 =	sadd.s32 $0xFFFFE003, lr  }
0x1b: {  	s9 =	sadd.s32 $0xFFFFFEF7, lr;
	s5 =	simm.s32 $0xFFFFFFFF;
	p2 =	slt.u32 s8, $0xFFFFF086  }
0x1c: {  	p1 =	slt.u32 s9, $0xF7A;
	s5 =	simm.s32 @!p2 $0x0  }
0x1d: {  	s5 =	simm.s32 @p1 $0x1;
	p0 =	seq.s32 s7, s2  }
0x1e: {  	s7 =	smul.u32 @!p0 $0xF7A, s2;
	p2 =	seq.s32 @!p0 s5, $0x0  }
0x1f: {  	s9 =	smul.u32 $0xF7A, s1;
	s8 =	simm.s32 @!p0 $0x1BF5;
	p2 =	por !p2, p0  }
0x20: {  	[sflag:s8] =	ssyncset.s32 @!p0 $0xFFFFF086;
	s6 =	sadd.s32 @!p0 s3, s7;
	s7 =	simm.s32 @!p0 $0x108  }
0x21: {  	s3 =	sadd.s32 s3, s9;
	s6 =	sadd.s32 @!p0 $0x88, s6;
	s7 =	simm.s32 @p2 $0x1082  }
0x22: {  	[simem:s7], [sflag:s8] =	dma.local @!p0 [hbm:s6], $0xF7A  }
0x23: {  	s9 =	sor.u32 $0xD0000000, s2;
	s6 =	simm.s32 $0x108;
	_ =	swait.ge @!p0 [sflag:s8], $0x0  }
0x24: {  	s3 =	sadd.s32 $0x88, s3;
	s6 =	simm.s32 @!p1 $0x1082;
	[sflag:s4] =	ssyncset.s32 $0xFFFFF086  }
0x25: {  	[simem:s6], [sflag:s4] =	dma.local [hbm:s3], $0xF7A  }
0x26: {  	[smem:$0x3F98] =	sst s1;
	(tag) =	ssettag s2;
	_ =	strace s9  }
0x27: {  	s1 =	sld [smem:$0x3FA8]  }
0x28: {  	s2 =	sld [smem:$0x3FA9]  }
0x29: {  	s4 =	sld [smem:$0x3FAB]  }
0x2a: {  	p0 =	seq.s32 s5, $0x0;
	s5 =	sld [smem:$0x3FAC]  }
0x2b: {  	s6 =	sld [smem:$0x3FAD]  }
0x2c: {  	s7 =	sld [smem:$0x3FAE]  }
0x2d: {  	s3 =	simm.s32 $0x108;
	s8 =	sld [smem:$0x3FAF]  }
0x2e: {  	s3 =	simm.s32 @!p0 $0x1082;
	s9 =	sld [smem:$0x3FB0]  }
0x2f: {  	lr =	sadd.s32 s0, s3;
	s0 =	sld [smem:$0x3FA7]  }
0x30: {  	s3 =	sld [smem:$0x3FAA]  }
0x31: {  	[smem:$0x3FB3] =	sst s10  }
0x32: {  	s10 =	sld [smem:$0x3FB1];
	_ =	sdelay $0x3  }
0x33: {  	p0 =	seq.s32 s10, $0x1;
	s10 =	sld [smem:$0x3FB3];
	_ =	sdelay $0x3  }
0x34: {  	[smem:$0x3FB3] =	sst s10  }
0x35: {  	s10 =	sld [smem:$0x3FB2];
	_ =	sdelay $0x3  }
0x36: {  	p1 =	seq.s32 s10, $0x1;
	s10 =	sld [smem:$0x3FB3];
	_ =	sdelay $0x3  }
0x37: {  	[smem:$0x3FB3] =	sst s10  }
0x38: {  	s10 =	sld [smem:$0x3FB4]  }
0x39: {  	_ = 	snop;
	(pc) =	sbr.ind lr, $3  }
0x3a: {  	_ = 	snop  }
0x3b: {  	_ = 	snop  }
0x3c: {  	p2 =	seq.s32 s10, $0x1;
	s10 =	sld [smem:$0x3FB3]  }
0x3d: {  	_ =	shalt  }
0x3e: {  	_ =	shalt  }
0x3f: {  	_ =	shalt  }
0x40: {  	_ =	shalt  }
0x41: {  	_ =	shalt  }
0x42: {  	_ =	shalt  }
0x43: {  	_ =	shalt  }
0x44: {  	_ =	shalt  }
0x45: {  	_ =	shalt  }
0x46: {  	_ =	shalt  }
0x47: {  	_ =	shalt  }
0x48: {  	_ =	shalt  }
0x49: {  	_ =	shalt  }
0x4a: {  	_ =	shalt  }
0x4b: {  	_ =	shalt  }
0x4c: {  	_ =	shalt  }
0x4d: {  	_ =	shalt  }
0x4e: {  	_ =	shalt  }
0x4f: {  	_ =	shalt  }
0x50: {  	_ =	shalt  }
0x51: {  	_ =	shalt  }
0x52: {  	_ =	shalt  }
0x53: {  	_ =	shalt  }
0x54: {  	_ =	shalt  }
0x55: {  	_ =	shalt  }
0x56: {  	_ =	shalt  }
0x57: {  	_ =	shalt  }
0x58: {  	_ =	shalt  }
0x59: {  	_ =	shalt  }
0x5a: {  	_ =	shalt  }
0x5b: {  	_ =	shalt  }
0x5c: {  	_ =	shalt  }
0x5d: {  	_ =	shalt  }
0x5e: {  	_ =	shalt  }
0x5f: {  	_ =	shalt  }
0x60: {  	_ =	shalt  }
0x61: {  	_ =	shalt  }
0x62: {  	_ =	shalt  }
0x63: {  	_ =	shalt  }
0x64: {  	_ =	shalt  }
0x65: {  	_ =	shalt  }
0x66: {  	_ =	shalt  }
0x67: {  	_ =	shalt  }
0x68: {  	_ =	shalt  }
0x69: {  	_ =	shalt  }
0x6a: {  	_ =	shalt  }
0x6b: {  	_ =	shalt  }
0x6c: {  	_ =	shalt  }
0x6d: {  	_ =	shalt  }
0x6e: {  	_ =	shalt  }
0x6f: {  	_ =	shalt  }
0x70: {  	_ =	shalt  }
0x71: {  	_ =	shalt  }
0x72: {  	_ =	shalt  }
0x73: {  	_ =	shalt  }
0x74: {  	_ =	shalt  }
0x75: {  	_ =	shalt  }
0x76: {  	_ =	shalt  }
0x77: {  	_ =	shalt  }
0x78: {  	_ =	shalt  }
0x79: {  	_ =	shalt  }
0x7a: {  	_ =	shalt  }
0x7b: {  	_ =	shalt  }
0x7c: {  	_ =	shalt  }
0x7d: {  	_ =	shalt  }
0x7e: {  	_ =	shalt  }
0x7f: {  	_ =	shalt  }
0x80: {  	_ =	shalt  }
0x81: {  	_ =	shalt  }
0x82: {  	_ =	shalt  }
0x83: {  	_ =	shalt  }
0x84: {  	_ =	shalt  }
0x85: {  	_ =	shalt  }
0x86: {  	_ =	shalt  }
0x87: {  	_ =	shalt  }
.Lfunc_end0:
.L_simem_size_0:
called_computation_lowered:
.L_overlay_start_0:
0x88: {  	s2 =	sld [smem:$0x3FD9]  }
0x89: {  	s3 =	sld [smem:$0x3FFE];
	_ =	sdelay $0x1  }
0x8a: {  	s1 =	srdreg.scid  }
0x8b: {  	s0 =	sand.u32 $0x1, s1  }
0x8c: {  	s16 =	sshll.u32 s0, $0xA;
	s2 =	sadd.s32 s3, s2  }
0x8d: {  	s2 =	sadd.s32 s2, s16  }
0x8e: {  	[smem:$0x3FBF] =	sst s2  }
0x8f: {  	_ = 	snop  }
0x90: {  	(tm) =	ssettm $0x1  }
0x91: {  	s17 =	sld [smem:$0x3FFB];
	_ =	sdelay $0x3  }
0x92: {  	_ =	strace s17  }
0x93: {  	s2 =	sld [smem:$0x3FFC];
	_ =	sdelay $0x3  }
0x94: {  	_ =	strace s2  }
0x95: {  	s2 =	sld [smem:$0x3FFD];
	_ =	sdelay $0x3  }
0x96: {  	_ =	strace s2  }
0x97: {  	_ =	strace $0x8FFFFFFF  }
0x98: {  	s18 =	sld [smem:$0x3FDB];
	_ =	sdelay $0x1  }
0x99: {  	s19 =	simm.s32 $_scs_section_size  }
0x9a: {  	s4 =	simm.s32 $_size__tile_overlayer_lowered;
	s5 =	simm.s32 $_tile_overlayer_lowered  }
0x9b: {  	s22 =	simm.s32 $0x1BFF;
	s21 =	sshll.u32 s5, $0x1;
	s2 =	sadd.s32 s19, s18  }
0x9c: {  	s6 =	simm.s32 $0x0;
	s20 =	sshll.u32 s4, $0x1;
	s4 =	sadd.s32 s21, s2  }
0x9d: {  	[timem:s6], [sflag:s22] =	dma.local [hbm:s4], s20  }
0x9e: {  	_ =	swait.ge [sflag:s22], s20  }
0x9f: {  	s3 =	ssub.s32 $0x0, s20;
	[sflag:s22] =	ssyncset.done $0x0  }
0xa0: {  	[sflag:s22] =	ssyncadd.s32 s3;
	_ =	sdelay $0x1  }
0xa1: {  	s23 =	simm.s32 $0x1B8B  }
0xa2: {  	_ =	swait.ge [sflag:s23], $0x1  }
0xa3: {  	[sflag:s23] =	ssyncset.done $0x0  }
0xa4: {  	s25 =	simm.s32 $0x1B8E;
	s24 =	sld [smem:$0x3FFE];
	[sflag:s23] =	ssyncadd.s32 $0xFFFFFFFF  }
0xa5: {  	s26 =	simm.s32 $execute0_lowered;
	[smem:$0x3FD2] =	sst s25  }
0xa6: {  	s4 =	sshll.u32 s26, $0x1;
	_ =	strace $0x80000046;
	[dreg:$0x1] =	wrdreg $0xFFFFFFFF  }
0xa7: {  	s28 =	simm.s32 $_size_execute0_lowered;
	s2 =	sadd.s32 s2, s4;
	[dreg:$0x0] =	wrdreg $0x0  }
0xa8: {  	s4 =	sshll.u32 s28, $0x1;
	[dreg:$0x2] =	wrdreg s2  }
0xa9: {  	[dreg:$0x3] =	wrdreg s4  }
0xaa: {  	[dreg:$0x4] =	wrdreg $0xC0  }
0xab: {  	_ =	task [dreg:s6], $0x5FFFF  }
0xac: {  	[dreg:$0x1] =	wrdreg $0xFFFFFFFF  }
0xad: {  	[dreg:$0x0] =	wrdreg $0x60  }
0xae: {  	[dreg:$0x2] =	wrdreg s24  }
0xaf: {  	[dreg:$0x3] =	wrdreg $0x68800  }
0xb0: {  	[dreg:$0x4] =	wrdreg $0x9  }
0xb1: {  	_ =	task.clear_ibuf [dreg:s6], $0x5FFFF;
	_ =	strace $0x90000046  }
0xb2: {  	s29 =	simm.s32 $0x9;
	_ =	strace $0x80000048  }
0xb3: {  	_ =	swait.ge [sflag:s29], $0x1  }
0xb4: {  	[sflag:s29] =	ssyncadd.s32 $0xFFFFFFFF  }
0xb5: {  	_ =	strace $0x90000048  }
0xb6: {  	_ =	sfence  }
0xb7: {  	s30 =	sld [smem:$0x0];
	_ =	sdelay $0x2  }
0xb8: {  	s31 =	sshll.u32 s1, $0xD;
	s1 =	sshrl.u32 s1, $0x2  }
0xb9: {  	s3 =	sand.u32 $0x4000, s31;
	s1 =	sadd.s32 s1, s30  }
0xba: {  	s0 =	sor.u32 s3, s0;
	s1 =	sshll.u32 s1, $0x11  }
0xbb: {  	s0 =	sor.u32 s1, s0  }
0xbc: {  	s0 =	sadd.s32 $0x8F2B, s0  }
0xbd: {  	[sflag:s0] =	ssyncadd.remote.s32 $0x1  }
0xbe: {  	_ =	sfence.sel $0xFFFF  }
0xbf: {  	[dreg:$0x0] =	wrdreg $0xFFFFFFFF;
	(pc) =	sbr.abs _section_cstart, $3  }
0xc0: {  	[dreg:$0x1] =	wrdreg $0xFFFFFFFF  }
0xc1: {  	_ =	task.clear_ibuf [dreg:s6], $0x2FFFF;
	_ =	strace $0x9FFFFFFF  }
0xc2: {  	(tm) =	ssettm $0x7FFFFFFF  }
0xc3: {  	_ =	shalt  }
tec
execute0_lowered:
.L_overlay_start_1:
0x0: {  	(tag) =	ssettag $0x1  }
0x1: {  	s1 =	srdreg.scid;
	s4 =	rddreg [dreg:$0x0]  }
0x2: {  	s0 =	stileid.u32;
	s2 =	rddreg [dreg:$0x1]  }
0x3: {  	s3 =	simm.s32 $0x0;
	s12 =	simm.s32 $0x2880;
	s6 =	smul.u32 $0x4E20, s0  }
0x4: {  	s13 =	simm.s32 $0x1;
	s14 =	simm.s32 $0x50;
	s26 =	smul.u32 $0x14000, s0  }
0x5: {  	s15 =	simm.s32 $0x80;
	s5 =	sand.u32 $0x1, s1;
	s9 =	smul.u32 $0x50000, s0  }
0x6: {  	s18 =	simm.s32 $0x0;
	s1 =	rddreg [dreg:$0x2];
	s7 =	smul.u32 $0x2710, s5  }
0x7: {  	[smem:$0x7FF] =	sst s3;
	s16 =	sshll.u32 s0, $0x6;
	s8 =	smul.u32 $0x140000, s5  }
0x8: {  	_ =	strace $0x80000047;
	s5 =	ssub.s32 $0x2, s5;
	s16 =	sor.u32 $0x1C01, s16  }
0x9: {  	s29 =	sshrl.u32 s5, $0x1;
	s30 =	sshrl.u32 s9, $0x2;
	s6 =	sadd.s32 s7, s6  }
0xa: {  	s28 =	sadd.s32 s26, s8;
	s10 =	ssub.s32 s5, s29;
	s6 =	sshrl.u32 s6, $0x3  }
0xb: {  	s10 =	smax.u32 s10, $0x1;
	s11 =	sadd.s32 s6, s4;
	s6 =	sshrl.u32 s28, $0x3  }
0xc: {  	s31 =	sadd.s32 s6, s4;
	s4 =	sadd.s32 s30, s2;
	s11 =	sadd.s32 $0xCA00, s11  }
0xd: {  	s5 =	sadd.s32 $0x4000, s4;
	s6 =	sadd.s32 $0x8000, s4;
	s7 =	sadd.s32 $0xC000, s4  }
0xe: {  	v0 =	vimm.f32 $0.0e+00;
	v1 =	vimm.f32 $1.000000000e+00;
	s8 =	sadd.s32 $0x10000, s4;
	s9 =	sadd.s32 $0x16800, s31;
	s17 =	sshrl.u32 s4, $0x3  }
.LBB2_1:
0xf: {  	s19 =	simm.s32 $0x0;
	s20 =	simm.s32 $0x200  }
.LBB2_2:
0x10: {  	p0 =	sne.s32 s20, $0xFE00;
	[tilespmem:s19+$0x28F0] =	vst v0  }
0x11: {  	[tilespmem:s19+$0x2880] =	vst v0  }
0x12: {  	[tilespmem:s19+$0x2890] =	vst v0  }
.Ltmp0:
0x13: {  	[tilespmem:s19+$0x28A0] =	vst v0;
	(pc) =	sbr.rel @p0 .LBB2_2-.Ltmp0, $4  }
0x14: {  	[tilespmem:s19+$0x28B0] =	vst v0  }
0x15: {  	[tilespmem:s19+$0x28C0] =	vst v0  }
0x16: {  	[tilespmem:s19+$0x28D0] =	vst v0  }
0x17: {  	[tilespmem:s19+$0x28E0] =	vst v0;
	s19 =	sshra.s32 s20, $0x2;
	s20 =	sadd.s32 $0x200, s20  }
0x18: {  	[tilespmem:s19+$0x28F0] =	vst v0  }
0x19: {  	[tilespmem:s19+$0x2880] =	vst v0  }
0x1a: {  	[tilespmem:s19+$0x2890] =	vst v0  }
0x1b: {  	[tilespmem:s19+$0x28A0] =	vst v0  }
0x1c: {  	[tilespmem:s19+$0x28B0] =	vst v0  }
0x1d: {  	[tilespmem:s19+$0x28C0] =	vst v0  }
0x1e: {  	[tilespmem:s19+$0x28D0] =	vst v0  }
0x1f: {  	[tilespmem:s19+$0x28E0] =	vst v0;
	s19 =	simm.s32 $0x0;
	s20 =	simm.s32 $0x200  }
.LBB2_4:
0x20: {  	p0 =	sne.s32 s20, $0x9E00;
	[tilespmem:s19+$0xF0] =	vst v1  }
0x21: {  	[tilespmem:s19+$0x80] =	vst v1  }
0x22: {  	[tilespmem:s19+$0x90] =	vst v1  }
.Ltmp1:
0x23: {  	[tilespmem:s19+$0xA0] =	vst v1;
	(pc) =	sbr.rel @p0 .LBB2_4-.Ltmp1, $4  }
0x24: {  	[tilespmem:s19+$0xB0] =	vst v1  }
0x25: {  	[tilespmem:s19+$0xC0] =	vst v1  }
0x26: {  	[tilespmem:s19+$0xD0] =	vst v1  }
0x27: {  	[tilespmem:s19+$0xE0] =	vst v1;
	s19 =	sshra.s32 s20, $0x2;
	s20 =	sadd.s32 $0x200, s20  }
0x28: {  	[tilespmem:s19+$0xF0] =	vst v1  }
0x29: {  	[tilespmem:s19+$0x80] =	vst v1  }
0x2a: {  	[tilespmem:s19+$0x90] =	vst v1  }
0x2b: {  	[tilespmem:s19+$0xA0] =	vst v1  }
0x2c: {  	[tilespmem:s19+$0xB0] =	vst v1  }
0x2d: {  	[tilespmem:s19+$0xC0] =	vst v1  }
0x2e: {  	[tilespmem:s19+$0xD0] =	vst v1  }
0x2f: {  	[tilespmem:s19+$0xE0] =	vst v1  }
0x30: {  	[spmem:s4] =	stream.linear.scatter [tilespmem:s12], [sflag:$0x1], $0x4000, $0x38;
	[tilespmem:$0x1A880] =	vst v63  }
0x31: {  	_ =	swait.ge [sflag:s13], $0x4000  }
0x32: {  	[sflag:s13] =	ssyncset.done $0x0  }
0x33: {  	[sflag:s13] =	ssyncadd.s32 $0xFFFFC000  }
0x34: {  	[spmem:s5] =	stream.linear.scatter [tilespmem:s12], [sflag:$0x1], $0x4000, $0x38;
	[tilespmem:$0x1A880] =	vst v63  }
0x35: {  	_ =	swait.ge [sflag:s13], $0x4000  }
0x36: {  	[sflag:s13] =	ssyncset.done $0x0  }
0x37: {  	[sflag:s13] =	ssyncadd.s32 $0xFFFFC000  }
0x38: {  	[spmem:s6] =	stream.linear.scatter [tilespmem:s12], [sflag:$0x1], $0x4000, $0x38;
	[tilespmem:$0x1A880] =	vst v63  }
0x39: {  	_ =	swait.ge [sflag:s13], $0x4000  }
0x3a: {  	[sflag:s13] =	ssyncset.done $0x0  }
0x3b: {  	[sflag:s13] =	ssyncadd.s32 $0xFFFFC000  }
0x3c: {  	[spmem:s7] =	stream.linear.scatter [tilespmem:s12], [sflag:$0x1], $0x4000, $0x38;
	[tilespmem:$0x1A880] =	vst v63  }
0x3d: {  	_ =	swait.ge [sflag:s13], $0x4000  }
0x3e: {  	[sflag:s13] =	ssyncset.done $0x0  }
0x3f: {  	[sflag:s13] =	ssyncadd.s32 $0xFFFFC000  }
0x40: {  	[spmem:s8] =	stream.linear.scatter [tilespmem:s12], [sflag:$0x1], $0x4000, $0x38;
	[tilespmem:$0x1A880] =	vst v63  }
0x41: {  	_ =	swait.ge [sflag:s13], $0x4000  }
0x42: {  	[sflag:s13] =	ssyncset.done $0x0  }
0x43: {  	[sflag:s13] =	ssyncadd.s32 $0xFFFFC000  }
0x44: {  	s31 =	sadd.s32 $0x0, s11;
	[bflag:$0x0] =	sbarrier.arrive $0xFFFF  }
0x45: {  	[tilespmem:s3], [sflag:$0x1] =	stream.linear.gather [hbm4b:s31+s3], $0x50, $0x38;
	[tilespmem:$0x1A880] =	vst v63  }
0x46: {  	_ =	swait.ge [sflag:s13], $0x50  }
0x47: {  	[sflag:s13] =	ssyncset.done $0x0  }
0x48: {  	[sflag:s13] =	ssyncadd.s32 $0xFFFFFFB0  }
0x49: {  	[spmem:s2] =	stream.indirect.scatter.add.f32 [tilespmem:s15], [sflag:$0x1], $0x80, s3, s14, $0xb8;
	[tilespmem:$0x1A880] =	vst v63  }
0x4a: {  	_ =	swait.ge [sflag:s13], $0x2800  }
0x4b: {  	s19 =	simm.s32 $0xA;
	s20 =	simm.s32 $0x14;
	[sflag:s13] =	ssyncset.done $0x0  }
.LBB2_6:
0x4c: {  	s21 =	sadd.s32 s19, s11  }
0x4d: {  	[sflag:s13] =	ssyncadd.s32 $0xFFFFD800;
	s19 =	smov.u32 s20;
	s22 =	sadd.s32 $0xA, s20  }
0x4e: {  	[tilespmem:s3], [sflag:$0x1] =	stream.linear.gather [hbm4b:s21+s3], $0x50, $0x38;
	[tilespmem:$0x1A880] =	vst v63  }
0x4f: {  	p0 =	sne.s32 s20, $0x4D8;
	_ =	swait.ge [sflag:s13], $0x50  }
.Ltmp2:
0x50: {  	[sflag:s13] =	ssyncset.done $0x0;
	(pc) =	sbr.rel @p0 .LBB2_6-.Ltmp2, $4  }
0x51: {  	[sflag:s13] =	ssyncadd.s32 $0xFFFFFFB0  }
0x52: {  	[spmem:s2] =	stream.indirect.scatter.add.f32 [tilespmem:s15], [sflag:$0x1], $0x80, s3, s14, $0xb8;
	[tilespmem:$0x1A880] =	vst v63  }
0x53: {  	_ =	swait.ge [sflag:s13], $0x2800  }
0x54: {  	s20 =	smov.u32 s22;
	[sflag:s13] =	ssyncset.done $0x0  }
0x55: {  	s19 =	sadd.s32 s19, s11;
	[sflag:s13] =	ssyncadd.s32 $0xFFFFD800  }
0x56: {  	[tilespmem:s3], [sflag:$0x1] =	stream.linear.gather [hbm4b:s19+s3], $0x50, $0x38;
	[tilespmem:$0x1A880] =	vst v63  }
0x57: {  	_ =	swait.ge [sflag:s13], $0x50  }
0x58: {  	[sflag:s13] =	ssyncset.done $0x0  }
0x59: {  	[sflag:s13] =	ssyncadd.s32 $0xFFFFFFB0  }
0x5a: {  	[spmem:s2] =	stream.indirect.scatter.add.f32 [tilespmem:s15], [sflag:$0x1], $0x80, s3, s14, $0xb8;
	[tilespmem:$0x1A880] =	vst v63  }
0x5b: {  	_ =	swait.ge [sflag:s13], $0x2800  }
0x5c: {  	s18 =	sadd.s32 $0x1, s18;
	[sflag:s13] =	ssyncset.done $0x0  }
0x5d: {  	p0 =	sne.s32 s18, s10;
	[sflag:s13] =	ssyncadd.s32 $0xFFFFD800  }
.Ltmp3:
0x5e: {  	[bflag:$0x0] =	sbarrier.arrive $0xFFFF;
	(pc) =	sbr.rel @p0 .LBB2_1-.Ltmp3, $4  }
0x5f: {  	[hbm:s9], [sflag:s16] =	dma.local [spmem:s17], $0x2800  }
0x60: {  	_ =	swait.ge [sflag:s13], $0x2800  }
0x61: {  	[sflag:s13] =	ssyncset.done $0x0  }
0x62: {  	[sflag:s13] =	ssyncadd.s32 $0xFFFFD800  }
0x63: {  	_ =	sfence.sel $0x180000  }
0x64: {  	[bflag:$0x0] =	sbarrier.arrive $0xFFFF  }
0x65: {  	p0 =	sne.s32 s0, $0x0;
	_ =	strace $0x90000047  }
0x66: {  	s0 =	sadd.s32 @!p0 $0x100000, s1;
	[bflag:$0x2] =	sbarrier.arrive $0xFFFF  }
0x67: {  	[sflag:s0] =	ssyncadd.tile.s32 @!p0 $0x1;
	_ =	shalt  }
.Lfunc_end2:
_tile_overlayer_lowered:
.L_overlay_start_2:
0x68: {  	(tag) =	ssettag $0x2  }
0x69: {  	s0 =	rddreg [dreg:$0x0];
	s2 =	stileid.u32  }
0x6a: {  	s1 =	rddreg [dreg:$0x1];
	p0 =	sne.s32 s2, $0x0  }
0x6b: {  	s3 =	rddreg [dreg:$0x2];
	[bflag:$0x3] =	sbarrier.arrive $0xFFFF;
	s2 =	simm.s32 @!p0 $0x1C01  }
0x6c: {  	[timem:s3], [sflag:s2] =	dma.local @!p0 [hbm:s0], s1  }
0x6d: {  	s0 =	simm.s32 @!p0 $0x1  }
0x6e: {  	_ =	swait.ge @!p0 [sflag:s0], s1  }
0x6f: {  	s1 =	ssub.s32 @!p0 $0x0, s1;
	[sflag:s0] =	ssyncset.done @!p0 $0x0  }
0x70: {  	[sflag:s0] =	ssyncadd.s32 @!p0 s1  }
0x71: {  	[bflag:$0x3] =	sbarrier.arrive $0xFFFF  }
0x72: {  	_ =	shalt  }

// kernel: kernel.13.cloned.1.call-start
scs
__scs_entry_jumppad:
0x0: {  	(pc) =	sbr.rel $0x88, $3  }
0x1: {  	(tag) =	ssettag $0x0;
	lr =	simm.s32 $0x1  }
0x2: {  	[smem:$0x3F98] =	sst lr;
	_ =	strace $0xD0000000  }
0x3: {  	_ = 	snop  }
0x4: {  	_ = 	snop  }
0x5: {  	_ = 	snop  }
0x6: {  	_ = 	snop  }
0x7: {  	_ = 	snop  }
__scs_overlays_trampoline_lowered:
0x8: {  	[smem:$0x3FA7] =	sst s0  }
0x9: {  	[smem:$0x3FA8] =	sst s1  }
0xa: {  	[smem:$0x3FA9] =	sst s2  }
0xb: {  	[smem:$0x3FAA] =	sst s3  }
0xc: {  	[smem:$0x3FAB] =	sst s4  }
0xd: {  	[smem:$0x3FAC] =	sst s5  }
0xe: {  	[smem:$0x3FAD] =	sst s6  }
0xf: {  	[smem:$0x3FAE] =	sst s7  }
0x10: {  	[smem:$0x3FAF] =	sst s8  }
0x11: {  	[smem:$0x3FB0] =	sst s9;
	s0 =	simm.s32 @!p0 $0x0  }
0x12: {  	s1 =	sld [smem:$0x3F96];
	s0 =	simm.s32 @p0 $0x1  }
0x13: {  	[smem:$0x3FB1] =	sst s0;
	s0 =	simm.s32 @!p1 $0x0  }
0x14: {  	s2 =	sld [smem:$0x3F95];
	s0 =	simm.s32 @p1 $0x1  }
0x15: {  	[smem:$0x3FB2] =	sst s0;
	s0 =	simm.s32 @!p2 $0x0  }
0x16: {  	s3 =	sld [smem:$0x3FDB];
	s0 =	simm.s32 @p2 $0x1  }
0x17: {  	s4 =	simm.s32 $0x1BF5;
	[smem:$0x3FB4] =	sst s0  }
0x18: {  	s0 =	sld [smem:$0x3F97];
	_ =	swait.ge [sflag:s4], $0x0  }
0x19: {  	s7 =	sld [smem:$0x3F98]  }
0x1a: {  	s8 =	sadd.s32 $0xFFFFE003, lr  }
0x1b: {  	s9 =	sadd.s32 $0xFFFFFEF7, lr;
	s5 =	simm.s32 $0xFFFFFFFF;
	p2 =	slt.u32 s8, $0xFFFFF086  }
0x1c: {  	p1 =	slt.u32 s9, $0xF7A;
	s5 =	simm.s32 @!p2 $0x0  }
0x1d: {  	s5 =	simm.s32 @p1 $0x1;
	p0 =	seq.s32 s7, s2  }
0x1e: {  	s7 =	smul.u32 @!p0 $0xF7A, s2;
	p2 =	seq.s32 @!p0 s5, $0x0  }
0x1f: {  	s9 =	smul.u32 $0xF7A, s1;
	s8 =	simm.s32 @!p0 $0x1BF5;
	p2 =	por !p2, p0  }
0x20: {  	[sflag:s8] =	ssyncset.s32 @!p0 $0xFFFFF086;
	s6 =	sadd.s32 @!p0 s3, s7;
	s7 =	simm.s32 @!p0 $0x108  }
0x21: {  	s3 =	sadd.s32 s3, s9;
	s6 =	sadd.s32 @!p0 $0x88, s6;
	s7 =	simm.s32 @p2 $0x1082  }
0x22: {  	[simem:s7], [sflag:s8] =	dma.local @!p0 [hbm:s6], $0xF7A  }
0x23: {  	s9 =	sor.u32 $0xD0000000, s2;
	s6 =	simm.s32 $0x108;
	_ =	swait.ge @!p0 [sflag:s8], $0x0  }
0x24: {  	s3 =	sadd.s32 $0x88, s3;
	s6 =	simm.s32 @!p1 $0x1082;
	[sflag:s4] =	ssyncset.s32 $0xFFFFF086  }
0x25: {  	[simem:s6], [sflag:s4] =	dma.local [hbm:s3], $0xF7A  }
0x26: {  	[smem:$0x3F98] =	sst s1;
	(tag) =	ssettag s2;
	_ =	strace s9  }
0x27: {  	s1 =	sld [smem:$0x3FA8]  }
0x28: {  	s2 =	sld [smem:$0x3FA9]  }
0x29: {  	s4 =	sld [smem:$0x3FAB]  }
0x2a: {  	p0 =	seq.s32 s5, $0x0;
	s5 =	sld [smem:$0x3FAC]  }
0x2b: {  	s6 =	sld [smem:$0x3FAD]  }
0x2c: {  	s7 =	sld [smem:$0x3FAE]  }
0x2d: {  	s3 =	simm.s32 $0x108;
	s8 =	sld [smem:$0x3FAF]  }
0x2e: {  	s3 =	simm.s32 @!p0 $0x1082;
	s9 =	sld [smem:$0x3FB0]  }
0x2f: {  	lr =	sadd.s32 s0, s3;
	s0 =	sld [smem:$0x3FA7]  }
0x30: {  	s3 =	sld [smem:$0x3FAA]  }
0x31: {  	[smem:$0x3FB3] =	sst s10  }
0x32: {  	s10 =	sld [smem:$0x3FB1];
	_ =	sdelay $0x3  }
0x33: {  	p0 =	seq.s32 s10, $0x1;
	s10 =	sld [smem:$0x3FB3];
	_ =	sdelay $0x3  }
0x34: {  	[smem:$0x3FB3] =	sst s10  }
0x35: {  	s10 =	sld [smem:$0x3FB2];
	_ =	sdelay $0x3  }
0x36: {  	p1 =	seq.s32 s10, $0x1;
	s10 =	sld [smem:$0x3FB3];
	_ =	sdelay $0x3  }
0x37: {  	[smem:$0x3FB3] =	sst s10  }
0x38: {  	s10 =	sld [smem:$0x3FB4]  }
0x39: {  	_ = 	snop;
	(pc) =	sbr.ind lr, $3  }
0x3a: {  	_ = 	snop  }
0x3b: {  	_ = 	snop  }
0x3c: {  	p2 =	seq.s32 s10, $0x1;
	s10 =	sld [smem:$0x3FB3]  }
0x3d: {  	_ =	shalt  }
0x3e: {  	_ =	shalt  }
0x3f: {  	_ =	shalt  }
0x40: {  	_ =	shalt  }
0x41: {  	_ =	shalt  }
0x42: {  	_ =	shalt  }
0x43: {  	_ =	shalt  }
0x44: {  	_ =	shalt  }
0x45: {  	_ =	shalt  }
0x46: {  	_ =	shalt  }
0x47: {  	_ =	shalt  }
0x48: {  	_ =	shalt  }
0x49: {  	_ =	shalt  }
0x4a: {  	_ =	shalt  }
0x4b: {  	_ =	shalt  }
0x4c: {  	_ =	shalt  }
0x4d: {  	_ =	shalt  }
0x4e: {  	_ =	shalt  }
0x4f: {  	_ =	shalt  }
0x50: {  	_ =	shalt  }
0x51: {  	_ =	shalt  }
0x52: {  	_ =	shalt  }
0x53: {  	_ =	shalt  }
0x54: {  	_ =	shalt  }
0x55: {  	_ =	shalt  }
0x56: {  	_ =	shalt  }
0x57: {  	_ =	shalt  }
0x58: {  	_ =	shalt  }
0x59: {  	_ =	shalt  }
0x5a: {  	_ =	shalt  }
0x5b: {  	_ =	shalt  }
0x5c: {  	_ =	shalt  }
0x5d: {  	_ =	shalt  }
0x5e: {  	_ =	shalt  }
0x5f: {  	_ =	shalt  }
0x60: {  	_ =	shalt  }
0x61: {  	_ =	shalt  }
0x62: {  	_ =	shalt  }
0x63: {  	_ =	shalt  }
0x64: {  	_ =	shalt  }
0x65: {  	_ =	shalt  }
0x66: {  	_ =	shalt  }
0x67: {  	_ =	shalt  }
0x68: {  	_ =	shalt  }
0x69: {  	_ =	shalt  }
0x6a: {  	_ =	shalt  }
0x6b: {  	_ =	shalt  }
0x6c: {  	_ =	shalt  }
0x6d: {  	_ =	shalt  }
0x6e: {  	_ =	shalt  }
0x6f: {  	_ =	shalt  }
0x70: {  	_ =	shalt  }
0x71: {  	_ =	shalt  }
0x72: {  	_ =	shalt  }
0x73: {  	_ =	shalt  }
0x74: {  	_ =	shalt  }
0x75: {  	_ =	shalt  }
0x76: {  	_ =	shalt  }
0x77: {  	_ =	shalt  }
0x78: {  	_ =	shalt  }
0x79: {  	_ =	shalt  }
0x7a: {  	_ =	shalt  }
0x7b: {  	_ =	shalt  }
0x7c: {  	_ =	shalt  }
0x7d: {  	_ =	shalt  }
0x7e: {  	_ =	shalt  }
0x7f: {  	_ =	shalt  }
0x80: {  	_ =	shalt  }
0x81: {  	_ =	shalt  }
0x82: {  	_ =	shalt  }
0x83: {  	_ =	shalt  }
0x84: {  	_ =	shalt  }
0x85: {  	_ =	shalt  }
0x86: {  	_ =	shalt  }
0x87: {  	_ =	shalt  }
.Lfunc_end0:
.L_simem_size_0:
called_computation.1_lowered:
.L_overlay_start_0:
0x88: {  	s2 =	sld [smem:$0x3FD9]  }
0x89: {  	s3 =	sld [smem:$0x3FFE];
	_ =	sdelay $0x1  }
0x8a: {  	s1 =	srdreg.scid  }
0x8b: {  	s0 =	sand.u32 $0x1, s1  }
0x8c: {  	s17 =	sshll.u32 s0, $0xA;
	s2 =	sadd.s32 s3, s2  }
0x8d: {  	s2 =	sadd.s32 s2, s17  }
0x8e: {  	[smem:$0x3FBF] =	sst s2  }
0x8f: {  	_ = 	snop  }
0x90: {  	s2 =	sld [smem:$0x3FD0];
	(tm) =	ssettm $0x1  }
0x91: {  	s18 =	sld [smem:$0x3FFB];
	_ =	sdelay $0x3  }
0x92: {  	_ =	strace s18  }
0x93: {  	s3 =	sld [smem:$0x3FFC];
	_ =	sdelay $0x3  }
0x94: {  	_ =	strace s3  }
0x95: {  	s3 =	sld [smem:$0x3FFD];
	_ =	sdelay $0x3  }
0x96: {  	_ =	strace s3  }
0x97: {  	_ =	strace $0x8FFFFFFF  }
0x98: {  	s19 =	sld [smem:$0x3FDB];
	_ =	sdelay $0x1  }
0x99: {  	s4 =	simm.s32 $_scs_section_size  }
0x9a: {  	s5 =	simm.s32 $_size__tile_overlayer_lowered;
	s6 =	simm.s32 $_tile_overlayer_lowered  }
0x9b: {  	s22 =	simm.s32 $0x1BFF;
	s21 =	sshll.u32 s6, $0x1;
	s3 =	sadd.s32 s4, s19  }
0x9c: {  	s7 =	simm.s32 $0x0;
	s20 =	sshll.u32 s5, $0x1;
	s5 =	sadd.s32 s21, s3  }
0x9d: {  	[timem:s7], [sflag:s22] =	dma.local [hbm:s5], s20  }
0x9e: {  	_ =	swait.ge [sflag:s22], s20  }
0x9f: {  	s4 =	ssub.s32 $0x0, s20;
	[sflag:s22] =	ssyncset.done $0x0  }
0xa0: {  	[sflag:s22] =	ssyncadd.s32 s4;
	_ =	sdelay $0x1  }
0xa1: {  	s23 =	simm.s32 $0x1B8B  }
0xa2: {  	_ =	swait.ge [sflag:s23], $0x1  }
0xa3: {  	[sflag:s23] =	ssyncset.done $0x0  }
0xa4: {  	s25 =	simm.s32 $0x1B8E;
	s24 =	sld [smem:$0x3FFE];
	[sflag:s23] =	ssyncadd.s32 $0xFFFFFFFF  }
0xa5: {  	s26 =	simm.s32 $execute0_lowered;
	[smem:$0x3FD2] =	sst s25  }
0xa6: {  	s5 =	sshll.u32 s26, $0x1;
	_ =	strace $0x80000049;
	[dreg:$0x1] =	wrdreg $0xFFFFFFFF  }
0xa7: {  	s28 =	simm.s32 $_size_execute0_lowered;
	s3 =	sadd.s32 s3, s5;
	[dreg:$0x0] =	wrdreg $0x0  }
0xa8: {  	s5 =	sshll.u32 s28, $0x1;
	[dreg:$0x2] =	wrdreg s3  }
0xa9: {  	[dreg:$0x3] =	wrdreg s5  }
0xaa: {  	[dreg:$0x4] =	wrdreg $0xC0  }
0xab: {  	_ =	task [dreg:s7], $0x5FFFF  }
0xac: {  	[dreg:$0x1] =	wrdreg $0xFFFFFFFF  }
0xad: {  	[dreg:$0x0] =	wrdreg $0x60  }
0xae: {  	[dreg:$0x2] =	wrdreg s2  }
0xaf: {  	[dreg:$0x3] =	wrdreg s24  }
0xb0: {  	[dreg:$0x4] =	wrdreg $0x69000  }
0xb1: {  	[dreg:$0x5] =	wrdreg $0x9  }
0xb2: {  	_ =	task.clear_ibuf [dreg:s7], $0x6FFFF;
	_ =	strace $0x90000049  }
0xb3: {  	s29 =	simm.s32 $0x9;
	_ =	strace $0x8000004B  }
0xb4: {  	_ =	swait.ge [sflag:s29], $0x1  }
0xb5: {  	[sflag:s29] =	ssyncadd.s32 $0xFFFFFFFF  }
0xb6: {  	_ =	strace $0x9000004B  }
0xb7: {  	_ =	sfence  }
0xb8: {  	s30 =	sld [smem:$0x0];
	_ =	sdelay $0x2  }
0xb9: {  	s31 =	sshll.u32 s1, $0xD;
	s1 =	sshrl.u32 s1, $0x2  }
0xba: {  	s3 =	sand.u32 $0x4000, s31;
	s1 =	sadd.s32 s1, s30  }
0xbb: {  	s0 =	sor.u32 s3, s0;
	s1 =	sshll.u32 s1, $0x11  }
0xbc: {  	s0 =	sor.u32 s1, s0  }
0xbd: {  	s0 =	sadd.s32 $0x8F2B, s0  }
0xbe: {  	[sflag:s0] =	ssyncadd.remote.s32 $0x1  }
0xbf: {  	_ =	sfence.sel $0xFFFF  }
0xc0: {  	[dreg:$0x0] =	wrdreg $0xFFFFFFFF;
	(pc) =	sbr.abs _section_cstart, $3  }
0xc1: {  	[dreg:$0x1] =	wrdreg $0xFFFFFFFF  }
0xc2: {  	_ =	task.clear_ibuf [dreg:s7], $0x2FFFF;
	_ =	strace $0x9FFFFFFF  }
0xc3: {  	(tm) =	ssettm $0x7FFFFFFF  }
tec
execute0_lowered:
.L_overlay_start_1:
0x0: {  	(tag) =	ssettag $0x1  }
0x1: {  	s1 =	rddreg [dreg:$0x0]  }
0x2: {  	s2 =	srdreg.scid;
	s5 =	rddreg [dreg:$0x1]  }
0x3: {  	s0 =	stileid.u32;
	s3 =	rddreg [dreg:$0x2]  }
0x4: {  	s4 =	simm.s32 $0x0;
	s14 =	simm.s32 $0x2900;
	s15 =	simm.s32 $0x2  }
0x5: {  	s16 =	simm.s32 $0x80;
	s17 =	simm.s32 $0x50;
	s7 =	smul.u32 $0x4E20, s0  }
0x6: {  	s18 =	simm.s32 $0x100;
	s19 =	simm.s32 $0x1;
	s26 =	smul.u32 $0x14000, s0  }
0x7: {  	s6 =	sand.u32 $0x1, s2;
	s2 =	rddreg [dreg:$0x3];
	s10 =	smul.u32 $0x50000, s0  }
0x8: {  	s22 =	simm.s32 $0x0;
	[smem:$0x7FF] =	sst s4;
	s8 =	smul.u32 $0x2710, s6  }
0x9: {  	s20 =	sshll.u32 s0, $0x6;
	s9 =	smul.u32 $0x140000, s6;
	_ =	strace $0x8000004A  }
0xa: {  	s6 =	ssub.s32 $0x2, s6;
	s20 =	sor.u32 $0x1C02, s20;
	s7 =	sadd.s32 s8, s7  }
0xb: {  	s29 =	sshrl.u32 s6, $0x1;
	s28 =	sadd.s32 s26, s9;
	s7 =	sshrl.u32 s7, $0x3  }
0xc: {  	s11 =	ssub.s32 s6, s29;
	s13 =	sadd.s32 s7, s5;
	s7 =	sshrl.u32 s28, $0x3  }
0xd: {  	s30 =	sshrl.u32 s10, $0x2;
	s11 =	smax.u32 s11, $0x1;
	s31 =	sadd.s32 s7, s5  }
0xe: {  	s5 =	sadd.s32 s30, s3;
	s12 =	sadd.s32 $0xCA00, s13;
	s13 =	sadd.s32 $0x2C00, s13  }
0xf: {  	s6 =	sadd.s32 $0x4000, s5;
	s7 =	sadd.s32 $0x8000, s5;
	s8 =	sadd.s32 $0xC000, s5  }
0x10: {  	v0 =	vimm.f32 $0.0e+00;
	s9 =	sadd.s32 $0x10000, s5;
	s10 =	sadd.s32 $0x16800, s31;
	s21 =	sshrl.u32 s5, $0x3  }
.LBB2_1:
0x11: {  	s23 =	simm.s32 $0x0;
	s24 =	simm.s32 $0x200  }
.LBB2_2:
0x12: {  	p0 =	sne.s32 s24, $0xFE00;
	[tilespmem:s23+$0x2970] =	vst v0  }
0x13: {  	[tilespmem:s23+$0x2900] =	vst v0  }
0x14: {  	[tilespmem:s23+$0x2910] =	vst v0  }
.Ltmp0:
0x15: {  	[tilespmem:s23+$0x2920] =	vst v0;
	(pc) =	sbr.rel @p0 .LBB2_2-.Ltmp0, $4  }
0x16: {  	[tilespmem:s23+$0x2930] =	vst v0  }
0x17: {  	[tilespmem:s23+$0x2940] =	vst v0  }
0x18: {  	[tilespmem:s23+$0x2950] =	vst v0  }
0x19: {  	[tilespmem:s23+$0x2960] =	vst v0;
	s23 =	sshra.s32 s24, $0x2;
	s24 =	sadd.s32 $0x200, s24  }
0x1a: {  	[tilespmem:s23+$0x2970] =	vst v0  }
0x1b: {  	[tilespmem:s23+$0x2900] =	vst v0  }
0x1c: {  	[tilespmem:s23+$0x2910] =	vst v0  }
0x1d: {  	[tilespmem:s23+$0x2920] =	vst v0  }
0x1e: {  	[tilespmem:s23+$0x2930] =	vst v0  }
0x1f: {  	[tilespmem:s23+$0x2940] =	vst v0  }
0x20: {  	[tilespmem:s23+$0x2950] =	vst v0  }
0x21: {  	[tilespmem:s23+$0x2960] =	vst v0  }
0x22: {  	[spmem:s5] =	stream.linear.scatter [tilespmem:s14], [sflag:$0x2], $0x4000, $0x38;
	[tilespmem:$0x1A900] =	vst v63  }
0x23: {  	_ =	swait.ge [sflag:s15], $0x4000  }
0x24: {  	[sflag:s15] =	ssyncset.done $0x0  }
0x25: {  	[sflag:s15] =	ssyncadd.s32 $0xFFFFC000  }
0x26: {  	[spmem:s6] =	stream.linear.scatter [tilespmem:s14], [sflag:$0x2], $0x4000, $0x38;
	[tilespmem:$0x1A900] =	vst v63  }
0x27: {  	_ =	swait.ge [sflag:s15], $0x4000  }
0x28: {  	[sflag:s15] =	ssyncset.done $0x0  }
0x29: {  	[sflag:s15] =	ssyncadd.s32 $0xFFFFC000  }
0x2a: {  	[spmem:s7] =	stream.linear.scatter [tilespmem:s14], [sflag:$0x2], $0x4000, $0x38;
	[tilespmem:$0x1A900] =	vst v63  }
0x2b: {  	_ =	swait.ge [sflag:s15], $0x4000  }
0x2c: {  	[sflag:s15] =	ssyncset.done $0x0  }
0x2d: {  	[sflag:s15] =	ssyncadd.s32 $0xFFFFC000  }
0x2e: {  	[spmem:s8] =	stream.linear.scatter [tilespmem:s14], [sflag:$0x2], $0x4000, $0x38;
	[tilespmem:$0x1A900] =	vst v63  }
0x2f: {  	_ =	swait.ge [sflag:s15], $0x4000  }
0x30: {  	[sflag:s15] =	ssyncset.done $0x0  }
0x31: {  	[sflag:s15] =	ssyncadd.s32 $0xFFFFC000  }
0x32: {  	[spmem:s9] =	stream.linear.scatter [tilespmem:s14], [sflag:$0x2], $0x4000, $0x38;
	[tilespmem:$0x1A900] =	vst v63  }
0x33: {  	_ =	swait.ge [sflag:s15], $0x4000  }
0x34: {  	[sflag:s15] =	ssyncset.done $0x0  }
0x35: {  	[sflag:s15] =	ssyncadd.s32 $0xFFFFC000  }
0x36: {  	s30 =	sadd.s32 $0x0, s13;
	[bflag:$0x0] =	sbarrier.arrive $0xFFFF  }
0x37: {  	[tilespmem:s4], [sflag:$0x2] =	stream.linear.gather [hbm4b:s30+s4], $0x50, $0x38;
	[tilespmem:$0x1A900] =	vst v63  }
0x38: {  	_ =	swait.ge [sflag:s15], $0x50  }
0x39: {  	[sflag:s15] =	ssyncset.done $0x0  }
0x3a: {  	s31 =	sadd.s32 $0x0, s12;
	[sflag:s15] =	ssyncadd.s32 $0xFFFFFFB0  }
0x3b: {  	[tilespmem:s16], [sflag:$0x2] =	stream.linear.gather [hbm4b:s31+s4], $0x50, $0x38;
	[tilespmem:$0x1A900] =	vst v63  }
0x3c: {  	_ =	swait.ge [sflag:s15], $0x50  }
0x3d: {  	[sflag:s15] =	ssyncset.done $0x0  }
0x3e: {  	[sflag:s15] =	ssyncadd.s32 $0xFFFFFFB0  }
0x3f: {  	[tilespmem:s18], [sflag:$0x1] =	stream.indirect.gather [hbm4b:s1+s17], $0x80, s4, s17, $0xb8;
	[tilespmem:$0x1A900] =	vst v63  }
0x40: {  	_ =	swait.ge [sflag:s19], $0x2800  }
0x41: {  	[sflag:s19] =	ssyncset.done $0x0  }
0x42: {  	[sflag:s19] =	ssyncadd.s32 $0xFFFFD800  }
0x43: {  	[spmem:s3] =	stream.indirect.scatter.add.f32 [tilespmem:s18], [sflag:$0x2], $0x80, s16, s17, $0xb8;
	[tilespmem:$0x1A900] =	vst v63  }
0x44: {  	_ =	swait.ge [sflag:s15], $0x2800  }
0x45: {  	s23 =	simm.s32 $0xA;
	s24 =	simm.s32 $0x14;
	[sflag:s15] =	ssyncset.done $0x0  }
.LBB2_4:
0x46: {  	s25 =	sadd.s32 s23, s13  }
0x47: {  	[sflag:s15] =	ssyncadd.s32 $0xFFFFD800;
	s26 =	smov.u32 s24;
	s28 =	sadd.s32 $0xA, s24  }
0x48: {  	[tilespmem:s4], [sflag:$0x2] =	stream.linear.gather [hbm4b:s25+s4], $0x50, $0x38;
	[tilespmem:$0x1A900] =	vst v63  }
0x49: {  	p0 =	sne.s32 s24, $0x4D8;
	_ =	swait.ge [sflag:s15], $0x50  }
0x4a: {  	[sflag:s15] =	ssyncset.done $0x0  }
0x4b: {  	s24 =	sadd.s32 s23, s12;
	s23 =	smov.u32 s26;
	[sflag:s15] =	ssyncadd.s32 $0xFFFFFFB0  }
0x4c: {  	[tilespmem:s16], [sflag:$0x2] =	stream.linear.gather [hbm4b:s24+s4], $0x50, $0x38;
	[tilespmem:$0x1A900] =	vst v63  }
0x4d: {  	_ =	swait.ge [sflag:s15], $0x50  }
0x4e: {  	[sflag:s15] =	ssyncset.done $0x0  }
0x4f: {  	[sflag:s15] =	ssyncadd.s32 $0xFFFFFFB0  }
0x50: {  	[tilespmem:s18], [sflag:$0x1] =	stream.indirect.gather [hbm4b:s1+s17], $0x80, s4, s17, $0xb8;
	[tilespmem:$0x1A900] =	vst v63  }
0x51: {  	_ =	swait.ge [sflag:s19], $0x2800  }
.Ltmp1:
0x52: {  	[sflag:s19] =	ssyncset.done $0x0;
	(pc) =	sbr.rel @p0 .LBB2_4-.Ltmp1, $4  }
0x53: {  	[sflag:s19] =	ssyncadd.s32 $0xFFFFD800  }
0x54: {  	[spmem:s3] =	stream.indirect.scatter.add.f32 [tilespmem:s18], [sflag:$0x2], $0x80, s16, s17, $0xb8;
	[tilespmem:$0x1A900] =	vst v63  }
0x55: {  	_ =	swait.ge [sflag:s15], $0x2800  }
0x56: {  	s24 =	smov.u32 s28;
	[sflag:s15] =	ssyncset.done $0x0  }
0x57: {  	s24 =	sadd.s32 s23, s13;
	[sflag:s15] =	ssyncadd.s32 $0xFFFFD800  }
0x58: {  	[tilespmem:s4], [sflag:$0x2] =	stream.linear.gather [hbm4b:s24+s4], $0x50, $0x38;
	[tilespmem:$0x1A900] =	vst v63  }
0x59: {  	_ =	swait.ge [sflag:s15], $0x50  }
0x5a: {  	[sflag:s15] =	ssyncset.done $0x0  }
0x5b: {  	s31 =	sadd.s32 s23, s12;
	[sflag:s15] =	ssyncadd.s32 $0xFFFFFFB0  }
0x5c: {  	[tilespmem:s16], [sflag:$0x2] =	stream.linear.gather [hbm4b:s31+s4], $0x50, $0x38;
	[tilespmem:$0x1A900] =	vst v63  }
0x5d: {  	_ =	swait.ge [sflag:s15], $0x50  }
0x5e: {  	[sflag:s15] =	ssyncset.done $0x0  }
0x5f: {  	[sflag:s15] =	ssyncadd.s32 $0xFFFFFFB0  }
0x60: {  	[tilespmem:s18], [sflag:$0x1] =	stream.indirect.gather [hbm4b:s1+s17], $0x80, s4, s17, $0xb8;
	[tilespmem:$0x1A900] =	vst v63  }
0x61: {  	_ =	swait.ge [sflag:s19], $0x2800  }
0x62: {  	[sflag:s19] =	ssyncset.done $0x0  }
0x63: {  	[sflag:s19] =	ssyncadd.s32 $0xFFFFD800  }
0x64: {  	[spmem:s3] =	stream.indirect.scatter.add.f32 [tilespmem:s18], [sflag:$0x2], $0x80, s16, s17, $0xb8;
	[tilespmem:$0x1A900] =	vst v63  }
0x65: {  	_ =	swait.ge [sflag:s15], $0x2800  }
0x66: {  	s22 =	sadd.s32 $0x1, s22;
	[sflag:s15] =	ssyncset.done $0x0  }
0x67: {  	p0 =	sne.s32 s22, s11;
	[sflag:s15] =	ssyncadd.s32 $0xFFFFD800  }
.Ltmp2:
0x68: {  	[bflag:$0x0] =	sbarrier.arrive $0xFFFF;
	(pc) =	sbr.rel @p0 .LBB2_1-.Ltmp2, $4  }
0x69: {  	[hbm:s10], [sflag:s20] =	dma.local [spmem:s21], $0x2800  }
0x6a: {  	_ =	swait.ge [sflag:s15], $0x2800  }
0x6b: {  	[sflag:s15] =	ssyncset.done $0x0  }
0x6c: {  	[sflag:s15] =	ssyncadd.s32 $0xFFFFD800  }
0x6d: {  	_ =	sfence.sel $0x180000  }
0x6e: {  	[bflag:$0x0] =	sbarrier.arrive $0xFFFF  }
0x6f: {  	p0 =	sne.s32 s0, $0x0;
	_ =	strace $0x9000004A  }
0x70: {  	s0 =	sadd.s32 @!p0 $0x100000, s2;
	[bflag:$0x2] =	sbarrier.arrive $0xFFFF  }
0x71: {  	[sflag:s0] =	ssyncadd.tile.s32 @!p0 $0x1;
	_ =	shalt  }
.Lfunc_end2:
_tile_overlayer_lowered:
.L_overlay_start_2:
0x72: {  	(tag) =	ssettag $0x2  }
0x73: {  	s0 =	rddreg [dreg:$0x0];
	s2 =	stileid.u32  }
0x74: {  	s1 =	rddreg [dreg:$0x1];
	p0 =	sne.s32 s2, $0x0  }
0x75: {  	s3 =	rddreg [dreg:$0x2];
	[bflag:$0x3] =	sbarrier.arrive $0xFFFF;
	s2 =	simm.s32 @!p0 $0x1C02  }
0x76: {  	[timem:s3], [sflag:s2] =	dma.local @!p0 [hbm:s0], s1  }
0x77: {  	s0 =	simm.s32 @!p0 $0x2  }
0x78: {  	_ =	swait.ge @!p0 [sflag:s0], s1  }
0x79: {  	s1 =	ssub.s32 @!p0 $0x0, s1;
	[sflag:s0] =	ssyncset.done @!p0 $0x0  }
0x7a: {  	[sflag:s0] =	ssyncadd.s32 @!p0 s1  }
0x7b: {  	[bflag:$0x3] =	sbarrier.arrive $0xFFFF  }
0x7c: {  	_ =	shalt  }

// kernel: kernel.16.cloned.1.call-start
scs
__scs_entry_jumppad:
0x0: {  	(pc) =	sbr.rel $0x88, $3  }
0x1: {  	(tag) =	ssettag $0x0;
	lr =	simm.s32 $0x1  }
0x2: {  	[smem:$0x3F98] =	sst lr;
	_ =	strace $0xD0000000  }
0x3: {  	_ = 	snop  }
0x4: {  	_ = 	snop  }
0x5: {  	_ = 	snop  }
0x6: {  	_ = 	snop  }
0x7: {  	_ = 	snop  }
__scs_overlays_trampoline_lowered:
0x8: {  	[smem:$0x3FA7] =	sst s0  }
0x9: {  	[smem:$0x3FA8] =	sst s1  }
0xa: {  	[smem:$0x3FA9] =	sst s2  }
0xb: {  	[smem:$0x3FAA] =	sst s3  }
0xc: {  	[smem:$0x3FAB] =	sst s4  }
0xd: {  	[smem:$0x3FAC] =	sst s5  }
0xe: {  	[smem:$0x3FAD] =	sst s6  }
0xf: {  	[smem:$0x3FAE] =	sst s7  }
0x10: {  	[smem:$0x3FAF] =	sst s8  }
0x11: {  	[smem:$0x3FB0] =	sst s9;
	s0 =	simm.s32 @!p0 $0x0  }
0x12: {  	s1 =	sld [smem:$0x3F96];
	s0 =	simm.s32 @p0 $0x1  }
0x13: {  	[smem:$0x3FB1] =	sst s0;
	s0 =	simm.s32 @!p1 $0x0  }
0x14: {  	s2 =	sld [smem:$0x3F95];
	s0 =	simm.s32 @p1 $0x1  }
0x15: {  	[smem:$0x3FB2] =	sst s0;
	s0 =	simm.s32 @!p2 $0x0  }
0x16: {  	s3 =	sld [smem:$0x3FDB];
	s0 =	simm.s32 @p2 $0x1  }
0x17: {  	s4 =	simm.s32 $0x1BF5;
	[smem:$0x3FB4] =	sst s0  }
0x18: {  	s0 =	sld [smem:$0x3F97];
	_ =	swait.ge [sflag:s4], $0x0  }
0x19: {  	s7 =	sld [smem:$0x3F98]  }
0x1a: {  	s8 =	sadd.s32 $0xFFFFE003, lr  }
0x1b: {  	s9 =	sadd.s32 $0xFFFFFEF7, lr;
	s5 =	simm.s32 $0xFFFFFFFF;
	p2 =	slt.u32 s8, $0xFFFFF086  }
0x1c: {  	p1 =	slt.u32 s9, $0xF7A;
	s5 =	simm.s32 @!p2 $0x0  }
0x1d: {  	s5 =	simm.s32 @p1 $0x1;
	p0 =	seq.s32 s7, s2  }
0x1e: {  	s7 =	smul.u32 @!p0 $0xF7A, s2;
	p2 =	seq.s32 @!p0 s5, $0x0  }
0x1f: {  	s9 =	smul.u32 $0xF7A, s1;
	s8 =	simm.s32 @!p0 $0x1BF5;
	p2 =	por !p2, p0  }
0x20: {  	[sflag:s8] =	ssyncset.s32 @!p0 $0xFFFFF086;
	s6 =	sadd.s32 @!p0 s3, s7;
	s7 =	simm.s32 @!p0 $0x108  }
0x21: {  	s3 =	sadd.s32 s3, s9;
	s6 =	sadd.s32 @!p0 $0x88, s6;
	s7 =	simm.s32 @p2 $0x1082  }
0x22: {  	[simem:s7], [sflag:s8] =	dma.local @!p0 [hbm:s6], $0xF7A  }
0x23: {  	s9 =	sor.u32 $0xD0000000, s2;
	s6 =	simm.s32 $0x108;
	_ =	swait.ge @!p0 [sflag:s8], $0x0  }
0x24: {  	s3 =	sadd.s32 $0x88, s3;
	s6 =	simm.s32 @!p1 $0x1082;
	[sflag:s4] =	ssyncset.s32 $0xFFFFF086  }
0x25: {  	[simem:s6], [sflag:s4] =	dma.local [hbm:s3], $0xF7A  }
0x26: {  	[smem:$0x3F98] =	sst s1;
	(tag) =	ssettag s2;
	_ =	strace s9  }
0x27: {  	s1 =	sld [smem:$0x3FA8]  }
0x28: {  	s2 =	sld [smem:$0x3FA9]  }
0x29: {  	s4 =	sld [smem:$0x3FAB]  }
0x2a: {  	p0 =	seq.s32 s5, $0x0;
	s5 =	sld [smem:$0x3FAC]  }
0x2b: {  	s6 =	sld [smem:$0x3FAD]  }
0x2c: {  	s7 =	sld [smem:$0x3FAE]  }
0x2d: {  	s3 =	simm.s32 $0x108;
	s8 =	sld [smem:$0x3FAF]  }
0x2e: {  	s3 =	simm.s32 @!p0 $0x1082;
	s9 =	sld [smem:$0x3FB0]  }
0x2f: {  	lr =	sadd.s32 s0, s3;
	s0 =	sld [smem:$0x3FA7]  }
0x30: {  	s3 =	sld [smem:$0x3FAA]  }
0x31: {  	[smem:$0x3FB3] =	sst s10  }
0x32: {  	s10 =	sld [smem:$0x3FB1];
	_ =	sdelay $0x3  }
0x33: {  	p0 =	seq.s32 s10, $0x1;
	s10 =	sld [smem:$0x3FB3];
	_ =	sdelay $0x3  }
0x34: {  	[smem:$0x3FB3] =	sst s10  }
0x35: {  	s10 =	sld [smem:$0x3FB2];
	_ =	sdelay $0x3  }
0x36: {  	p1 =	seq.s32 s10, $0x1;
	s10 =	sld [smem:$0x3FB3];
	_ =	sdelay $0x3  }
0x37: {  	[smem:$0x3FB3] =	sst s10  }
0x38: {  	s10 =	sld [smem:$0x3FB4]  }
0x39: {  	_ = 	snop;
	(pc) =	sbr.ind lr, $3  }
0x3a: {  	_ = 	snop  }
0x3b: {  	_ = 	snop  }
0x3c: {  	p2 =	seq.s32 s10, $0x1;
	s10 =	sld [smem:$0x3FB3]  }
0x3d: {  	_ =	shalt  }
0x3e: {  	_ =	shalt  }
0x3f: {  	_ =	shalt  }
0x40: {  	_ =	shalt  }
0x41: {  	_ =	shalt  }
0x42: {  	_ =	shalt  }
0x43: {  	_ =	shalt  }
0x44: {  	_ =	shalt  }
0x45: {  	_ =	shalt  }
0x46: {  	_ =	shalt  }
0x47: {  	_ =	shalt  }
0x48: {  	_ =	shalt  }
0x49: {  	_ =	shalt  }
0x4a: {  	_ =	shalt  }
0x4b: {  	_ =	shalt  }
0x4c: {  	_ =	shalt  }
0x4d: {  	_ =	shalt  }
0x4e: {  	_ =	shalt  }
0x4f: {  	_ =	shalt  }
0x50: {  	_ =	shalt  }
0x51: {  	_ =	shalt  }
0x52: {  	_ =	shalt  }
0x53: {  	_ =	shalt  }
0x54: {  	_ =	shalt  }
0x55: {  	_ =	shalt  }
0x56: {  	_ =	shalt  }
0x57: {  	_ =	shalt  }
0x58: {  	_ =	shalt  }
0x59: {  	_ =	shalt  }
0x5a: {  	_ =	shalt  }
0x5b: {  	_ =	shalt  }
0x5c: {  	_ =	shalt  }
0x5d: {  	_ =	shalt  }
0x5e: {  	_ =	shalt  }
0x5f: {  	_ =	shalt  }
0x60: {  	_ =	shalt  }
0x61: {  	_ =	shalt  }
0x62: {  	_ =	shalt  }
0x63: {  	_ =	shalt  }
0x64: {  	_ =	shalt  }
0x65: {  	_ =	shalt  }
0x66: {  	_ =	shalt  }
0x67: {  	_ =	shalt  }
0x68: {  	_ =	shalt  }
0x69: {  	_ =	shalt  }
0x6a: {  	_ =	shalt  }
0x6b: {  	_ =	shalt  }
0x6c: {  	_ =	shalt  }
0x6d: {  	_ =	shalt  }
0x6e: {  	_ =	shalt  }
0x6f: {  	_ =	shalt  }
0x70: {  	_ =	shalt  }
0x71: {  	_ =	shalt  }
0x72: {  	_ =	shalt  }
0x73: {  	_ =	shalt  }
0x74: {  	_ =	shalt  }
0x75: {  	_ =	shalt  }
0x76: {  	_ =	shalt  }
0x77: {  	_ =	shalt  }
0x78: {  	_ =	shalt  }
0x79: {  	_ =	shalt  }
0x7a: {  	_ =	shalt  }
0x7b: {  	_ =	shalt  }
0x7c: {  	_ =	shalt  }
0x7d: {  	_ =	shalt  }
0x7e: {  	_ =	shalt  }
0x7f: {  	_ =	shalt  }
0x80: {  	_ =	shalt  }
0x81: {  	_ =	shalt  }
0x82: {  	_ =	shalt  }
0x83: {  	_ =	shalt  }
0x84: {  	_ =	shalt  }
0x85: {  	_ =	shalt  }
0x86: {  	_ =	shalt  }
0x87: {  	_ =	shalt  }
.Lfunc_end0:
.L_simem_size_0:
called_computation.2_lowered:
.L_overlay_start_0:
0x88: {  	s2 =	sld [smem:$0x3FD9]  }
0x89: {  	s3 =	sld [smem:$0x3FFE];
	_ =	sdelay $0x1  }
0x8a: {  	s1 =	srdreg.scid  }
0x8b: {  	s0 =	sand.u32 $0x1, s1  }
0x8c: {  	s17 =	sshll.u32 s0, $0xA;
	s2 =	sadd.s32 s3, s2  }
0x8d: {  	s2 =	sadd.s32 s2, s17  }
0x8e: {  	[smem:$0x3FBF] =	sst s2  }
0x8f: {  	_ = 	snop  }
0x90: {  	s2 =	sld [smem:$0x3FD0];
	(tm) =	ssettm $0x1  }
0x91: {  	s18 =	sld [smem:$0x3FFB];
	_ =	sdelay $0x3  }
0x92: {  	_ =	strace s18  }
0x93: {  	s3 =	sld [smem:$0x3FFC];
	_ =	sdelay $0x3  }
0x94: {  	_ =	strace s3  }
0x95: {  	s3 =	sld [smem:$0x3FFD];
	_ =	sdelay $0x3  }
0x96: {  	_ =	strace s3  }
0x97: {  	_ =	strace $0x8FFFFFFF  }
0x98: {  	s19 =	sld [smem:$0x3FDB];
	_ =	sdelay $0x1  }
0x99: {  	s4 =	simm.s32 $_scs_section_size  }
0x9a: {  	s5 =	simm.s32 $_size__tile_overlayer_lowered;
	s6 =	simm.s32 $_tile_overlayer_lowered  }
0x9b: {  	s22 =	simm.s32 $0x1BFF;
	s21 =	sshll.u32 s6, $0x1;
	s3 =	sadd.s32 s4, s19  }
0x9c: {  	s7 =	simm.s32 $0x0;
	s20 =	sshll.u32 s5, $0x1;
	s5 =	sadd.s32 s21, s3  }
0x9d: {  	[timem:s7], [sflag:s22] =	dma.local [hbm:s5], s20  }
0x9e: {  	_ =	swait.ge [sflag:s22], s20  }
0x9f: {  	s4 =	ssub.s32 $0x0, s20;
	[sflag:s22] =	ssyncset.done $0x0  }
0xa0: {  	[sflag:s22] =	ssyncadd.s32 s4;
	_ =	sdelay $0x1  }
0xa1: {  	s23 =	simm.s32 $0x1B8B  }
0xa2: {  	_ =	swait.ge [sflag:s23], $0x1  }
0xa3: {  	[sflag:s23] =	ssyncset.done $0x0  }
0xa4: {  	s25 =	simm.s32 $0x1B8E;
	s24 =	sld [smem:$0x3FFE];
	[sflag:s23] =	ssyncadd.s32 $0xFFFFFFFF  }
0xa5: {  	s26 =	simm.s32 $execute0_lowered;
	[smem:$0x3FD2] =	sst s25  }
0xa6: {  	s5 =	sshll.u32 s26, $0x1;
	_ =	strace $0x8000004C;
	[dreg:$0x1] =	wrdreg $0xFFFFFFFF  }
0xa7: {  	s28 =	simm.s32 $_size_execute0_lowered;
	s3 =	sadd.s32 s3, s5;
	[dreg:$0x0] =	wrdreg $0x0  }
0xa8: {  	s5 =	sshll.u32 s28, $0x1;
	[dreg:$0x2] =	wrdreg s3  }
0xa9: {  	[dreg:$0x3] =	wrdreg s5  }
0xaa: {  	[dreg:$0x4] =	wrdreg $0xC0  }
0xab: {  	_ =	task [dreg:s7], $0x5FFFF  }
0xac: {  	[dreg:$0x1] =	wrdreg $0xFFFFFFFF  }
0xad: {  	[dreg:$0x0] =	wrdreg $0x60  }
0xae: {  	[dreg:$0x2] =	wrdreg s2  }
0xaf: {  	[dreg:$0x3] =	wrdreg s24  }
0xb0: {  	[dreg:$0x4] =	wrdreg $0x69000  }
0xb1: {  	[dreg:$0x5] =	wrdreg $0x9  }
0xb2: {  	_ =	task.clear_ibuf [dreg:s7], $0x6FFFF;
	_ =	strace $0x9000004C  }
0xb3: {  	s29 =	simm.s32 $0x9;
	_ =	strace $0x8000004E  }
0xb4: {  	_ =	swait.ge [sflag:s29], $0x1  }
0xb5: {  	[sflag:s29] =	ssyncadd.s32 $0xFFFFFFFF  }
0xb6: {  	_ =	strace $0x9000004E  }
0xb7: {  	_ =	sfence  }
0xb8: {  	s30 =	sld [smem:$0x0];
	_ =	sdelay $0x2  }
0xb9: {  	s31 =	sshll.u32 s1, $0xD;
	s1 =	sshrl.u32 s1, $0x2  }
0xba: {  	s3 =	sand.u32 $0x4000, s31;
	s1 =	sadd.s32 s1, s30  }
0xbb: {  	s0 =	sor.u32 s3, s0;
	s1 =	sshll.u32 s1, $0x11  }
0xbc: {  	s0 =	sor.u32 s1, s0  }
0xbd: {  	s0 =	sadd.s32 $0x8F2B, s0  }
0xbe: {  	[sflag:s0] =	ssyncadd.remote.s32 $0x1  }
0xbf: {  	_ =	sfence.sel $0xFFFF  }
0xc0: {  	[dreg:$0x0] =	wrdreg $0xFFFFFFFF;
	(pc) =	sbr.abs _section_cstart, $3  }
0xc1: {  	[dreg:$0x1] =	wrdreg $0xFFFFFFFF  }
0xc2: {  	_ =	task.clear_ibuf [dreg:s7], $0x2FFFF;
	_ =	strace $0x9FFFFFFF  }
0xc3: {  	(tm) =	ssettm $0x7FFFFFFF  }
tec
execute0_lowered:
.L_overlay_start_1:
0x0: {  	(tag) =	ssettag $0x1  }
0x1: {  	s1 =	rddreg [dreg:$0x0]  }
0x2: {  	s2 =	srdreg.scid;
	s5 =	rddreg [dreg:$0x1]  }
0x3: {  	s0 =	stileid.u32;
	s3 =	rddreg [dreg:$0x2]  }
0x4: {  	s4 =	simm.s32 $0x0;
	s14 =	simm.s32 $0x2900;
	s15 =	simm.s32 $0x2  }
0x5: {  	s16 =	simm.s32 $0x80;
	s17 =	simm.s32 $0x50;
	s7 =	smul.u32 $0x4E20, s0  }
0x6: {  	s18 =	simm.s32 $0x100;
	s19 =	simm.s32 $0x1;
	s26 =	smul.u32 $0x14000, s0  }
0x7: {  	s6 =	sand.u32 $0x1, s2;
	s2 =	rddreg [dreg:$0x3];
	s10 =	smul.u32 $0x50000, s0  }
0x8: {  	s22 =	simm.s32 $0x0;
	[smem:$0x7FF] =	sst s4;
	s8 =	smul.u32 $0x2710, s6  }
0x9: {  	s20 =	sshll.u32 s0, $0x6;
	s9 =	smul.u32 $0x140000, s6;
	_ =	strace $0x8000004D  }
0xa: {  	s6 =	ssub.s32 $0x2, s6;
	s20 =	sor.u32 $0x1C02, s20;
	s7 =	sadd.s32 s8, s7  }
0xb: {  	s29 =	sshrl.u32 s6, $0x1;
	s28 =	sadd.s32 s26, s9;
	s7 =	sshrl.u32 s7, $0x3  }
0xc: {  	s11 =	ssub.s32 s6, s29;
	s13 =	sadd.s32 s7, s5;
	s7 =	sshrl.u32 s28, $0x3  }
0xd: {  	s30 =	sshrl.u32 s10, $0x2;
	s11 =	smax.u32 s11, $0x1;
	s31 =	sadd.s32 s7, s5  }
0xe: {  	s5 =	sadd.s32 s30, s3;
	s12 =	sadd.s32 $0xCA00, s13;
	s13 =	sadd.s32 $0x2C00, s13  }
0xf: {  	s6 =	sadd.s32 $0x4000, s5;
	s7 =	sadd.s32 $0x8000, s5;
	s8 =	sadd.s32 $0xC000, s5  }
0x10: {  	v0 =	vimm.f32 $0.0e+00;
	s9 =	sadd.s32 $0x10000, s5;
	s10 =	sadd.s32 $0x16800, s31;
	s21 =	sshrl.u32 s5, $0x3  }
.LBB2_1:
0x11: {  	s23 =	simm.s32 $0x0;
	s24 =	simm.s32 $0x200  }
.LBB2_2:
0x12: {  	p0 =	sne.s32 s24, $0xFE00;
	[tilespmem:s23+$0x2970] =	vst v0  }
0x13: {  	[tilespmem:s23+$0x2900] =	vst v0  }
0x14: {  	[tilespmem:s23+$0x2910] =	vst v0  }
.Ltmp0:
0x15: {  	[tilespmem:s23+$0x2920] =	vst v0;
	(pc) =	sbr.rel @p0 .LBB2_2-.Ltmp0, $4  }
0x16: {  	[tilespmem:s23+$0x2930] =	vst v0  }
0x17: {  	[tilespmem:s23+$0x2940] =	vst v0  }
0x18: {  	[tilespmem:s23+$0x2950] =	vst v0  }
0x19: {  	[tilespmem:s23+$0x2960] =	vst v0;
	s23 =	sshra.s32 s24, $0x2;
	s24 =	sadd.s32 $0x200, s24  }
0x1a: {  	[tilespmem:s23+$0x2970] =	vst v0  }
0x1b: {  	[tilespmem:s23+$0x2900] =	vst v0  }
0x1c: {  	[tilespmem:s23+$0x2910] =	vst v0  }
0x1d: {  	[tilespmem:s23+$0x2920] =	vst v0  }
0x1e: {  	[tilespmem:s23+$0x2930] =	vst v0  }
0x1f: {  	[tilespmem:s23+$0x2940] =	vst v0  }
0x20: {  	[tilespmem:s23+$0x2950] =	vst v0  }
0x21: {  	[tilespmem:s23+$0x2960] =	vst v0  }
0x22: {  	[spmem:s5] =	stream.linear.scatter [tilespmem:s14], [sflag:$0x2], $0x4000, $0x38;
	[tilespmem:$0x1A900] =	vst v63  }
0x23: {  	_ =	swait.ge [sflag:s15], $0x4000  }
0x24: {  	[sflag:s15] =	ssyncset.done $0x0  }
0x25: {  	[sflag:s15] =	ssyncadd.s32 $0xFFFFC000  }
0x26: {  	[spmem:s6] =	stream.linear.scatter [tilespmem:s14], [sflag:$0x2], $0x4000, $0x38;
	[tilespmem:$0x1A900] =	vst v63  }
0x27: {  	_ =	swait.ge [sflag:s15], $0x4000  }
0x28: {  	[sflag:s15] =	ssyncset.done $0x0  }
0x29: {  	[sflag:s15] =	ssyncadd.s32 $0xFFFFC000  }
0x2a: {  	[spmem:s7] =	stream.linear.scatter [tilespmem:s14], [sflag:$0x2], $0x4000, $0x38;
	[tilespmem:$0x1A900] =	vst v63  }
0x2b: {  	_ =	swait.ge [sflag:s15], $0x4000  }
0x2c: {  	[sflag:s15] =	ssyncset.done $0x0  }
0x2d: {  	[sflag:s15] =	ssyncadd.s32 $0xFFFFC000  }
0x2e: {  	[spmem:s8] =	stream.linear.scatter [tilespmem:s14], [sflag:$0x2], $0x4000, $0x38;
	[tilespmem:$0x1A900] =	vst v63  }
0x2f: {  	_ =	swait.ge [sflag:s15], $0x4000  }
0x30: {  	[sflag:s15] =	ssyncset.done $0x0  }
0x31: {  	[sflag:s15] =	ssyncadd.s32 $0xFFFFC000  }
0x32: {  	[spmem:s9] =	stream.linear.scatter [tilespmem:s14], [sflag:$0x2], $0x4000, $0x38;
	[tilespmem:$0x1A900] =	vst v63  }
0x33: {  	_ =	swait.ge [sflag:s15], $0x4000  }
0x34: {  	[sflag:s15] =	ssyncset.done $0x0  }
0x35: {  	[sflag:s15] =	ssyncadd.s32 $0xFFFFC000  }
0x36: {  	s30 =	sadd.s32 $0x0, s13;
	[bflag:$0x0] =	sbarrier.arrive $0xFFFF  }
0x37: {  	[tilespmem:s4], [sflag:$0x2] =	stream.linear.gather [hbm4b:s30+s4], $0x50, $0x38;
	[tilespmem:$0x1A900] =	vst v63  }
0x38: {  	_ =	swait.ge [sflag:s15], $0x50  }
0x39: {  	[sflag:s15] =	ssyncset.done $0x0  }
0x3a: {  	s31 =	sadd.s32 $0x0, s12;
	[sflag:s15] =	ssyncadd.s32 $0xFFFFFFB0  }
0x3b: {  	[tilespmem:s16], [sflag:$0x2] =	stream.linear.gather [hbm4b:s31+s4], $0x50, $0x38;
	[tilespmem:$0x1A900] =	vst v63  }
0x3c: {  	_ =	swait.ge [sflag:s15], $0x50  }
0x3d: {  	[sflag:s15] =	ssyncset.done $0x0  }
0x3e: {  	[sflag:s15] =	ssyncadd.s32 $0xFFFFFFB0  }
0x3f: {  	[tilespmem:s18], [sflag:$0x1] =	stream.indirect.gather [hbm4b:s1+s17], $0x80, s4, s17, $0xb8;
	[tilespmem:$0x1A900] =	vst v63  }
0x40: {  	_ =	swait.ge [sflag:s19], $0x2800  }
0x41: {  	[sflag:s19] =	ssyncset.done $0x0  }
0x42: {  	[sflag:s19] =	ssyncadd.s32 $0xFFFFD800  }
0x43: {  	[spmem:s3] =	stream.indirect.scatter.add.f32 [tilespmem:s18], [sflag:$0x2], $0x80, s16, s17, $0xb8;
	[tilespmem:$0x1A900] =	vst v63  }
0x44: {  	_ =	swait.ge [sflag:s15], $0x2800  }
0x45: {  	s23 =	simm.s32 $0xA;
	s24 =	simm.s32 $0x14;
	[sflag:s15] =	ssyncset.done $0x0  }
.LBB2_4:
0x46: {  	s25 =	sadd.s32 s23, s13  }
0x47: {  	[sflag:s15] =	ssyncadd.s32 $0xFFFFD800;
	s26 =	smov.u32 s24;
	s28 =	sadd.s32 $0xA, s24  }
0x48: {  	[tilespmem:s4], [sflag:$0x2] =	stream.linear.gather [hbm4b:s25+s4], $0x50, $0x38;
	[tilespmem:$0x1A900] =	vst v63  }
0x49: {  	p0 =	sne.s32 s24, $0x4D8;
	_ =	swait.ge [sflag:s15], $0x50  }
0x4a: {  	[sflag:s15] =	ssyncset.done $0x0  }
0x4b: {  	s24 =	sadd.s32 s23, s12;
	s23 =	smov.u32 s26;
	[sflag:s15] =	ssyncadd.s32 $0xFFFFFFB0  }
0x4c: {  	[tilespmem:s16], [sflag:$0x2] =	stream.linear.gather [hbm4b:s24+s4], $0x50, $0x38;
	[tilespmem:$0x1A900] =	vst v63  }
0x4d: {  	_ =	swait.ge [sflag:s15], $0x50  }
0x4e: {  	[sflag:s15] =	ssyncset.done $0x0  }
0x4f: {  	[sflag:s15] =	ssyncadd.s32 $0xFFFFFFB0  }
0x50: {  	[tilespmem:s18], [sflag:$0x1] =	stream.indirect.gather [hbm4b:s1+s17], $0x80, s4, s17, $0xb8;
	[tilespmem:$0x1A900] =	vst v63  }
0x51: {  	_ =	swait.ge [sflag:s19], $0x2800  }
.Ltmp1:
0x52: {  	[sflag:s19] =	ssyncset.done $0x0;
	(pc) =	sbr.rel @p0 .LBB2_4-.Ltmp1, $4  }
0x53: {  	[sflag:s19] =	ssyncadd.s32 $0xFFFFD800  }
0x54: {  	[spmem:s3] =	stream.indirect.scatter.add.f32 [tilespmem:s18], [sflag:$0x2], $0x80, s16, s17, $0xb8;
	[tilespmem:$0x1A900] =	vst v63  }
0x55: {  	_ =	swait.ge [sflag:s15], $0x2800  }
0x56: {  	s24 =	smov.u32 s28;
	[sflag:s15] =	ssyncset.done $0x0  }
0x57: {  	s24 =	sadd.s32 s23, s13;
	[sflag:s15] =	ssyncadd.s32 $0xFFFFD800  }
0x58: {  	[tilespmem:s4], [sflag:$0x2] =	stream.linear.gather [hbm4b:s24+s4], $0x50, $0x38;
	[tilespmem:$0x1A900] =	vst v63  }
0x59: {  	_ =	swait.ge [sflag:s15], $0x50  }
0x5a: {  	[sflag:s15] =	ssyncset.done $0x0  }
0x5b: {  	s31 =	sadd.s32 s23, s12;
	[sflag:s15] =	ssyncadd.s32 $0xFFFFFFB0  }
0x5c: {  	[tilespmem:s16], [sflag:$0x2] =	stream.linear.gather [hbm4b:s31+s4], $0x50, $0x38;
	[tilespmem:$0x1A900] =	vst v63  }
0x5d: {  	_ =	swait.ge [sflag:s15], $0x50  }
0x5e: {  	[sflag:s15] =	ssyncset.done $0x0  }
0x5f: {  	[sflag:s15] =	ssyncadd.s32 $0xFFFFFFB0  }
0x60: {  	[tilespmem:s18], [sflag:$0x1] =	stream.indirect.gather [hbm4b:s1+s17], $0x80, s4, s17, $0xb8;
	[tilespmem:$0x1A900] =	vst v63  }
0x61: {  	_ =	swait.ge [sflag:s19], $0x2800  }
0x62: {  	[sflag:s19] =	ssyncset.done $0x0  }
0x63: {  	[sflag:s19] =	ssyncadd.s32 $0xFFFFD800  }
0x64: {  	[spmem:s3] =	stream.indirect.scatter.add.f32 [tilespmem:s18], [sflag:$0x2], $0x80, s16, s17, $0xb8;
	[tilespmem:$0x1A900] =	vst v63  }
0x65: {  	_ =	swait.ge [sflag:s15], $0x2800  }
0x66: {  	s22 =	sadd.s32 $0x1, s22;
	[sflag:s15] =	ssyncset.done $0x0  }
0x67: {  	p0 =	sne.s32 s22, s11;
	[sflag:s15] =	ssyncadd.s32 $0xFFFFD800  }
.Ltmp2:
0x68: {  	[bflag:$0x0] =	sbarrier.arrive $0xFFFF;
	(pc) =	sbr.rel @p0 .LBB2_1-.Ltmp2, $4  }
0x69: {  	[hbm:s10], [sflag:s20] =	dma.local [spmem:s21], $0x2800  }
0x6a: {  	_ =	swait.ge [sflag:s15], $0x2800  }
0x6b: {  	[sflag:s15] =	ssyncset.done $0x0  }
0x6c: {  	[sflag:s15] =	ssyncadd.s32 $0xFFFFD800  }
0x6d: {  	_ =	sfence.sel $0x180000  }
0x6e: {  	[bflag:$0x0] =	sbarrier.arrive $0xFFFF  }
0x6f: {  	p0 =	sne.s32 s0, $0x0;
	_ =	strace $0x9000004D  }
0x70: {  	s0 =	sadd.s32 @!p0 $0x100000, s2;
	[bflag:$0x2] =	sbarrier.arrive $0xFFFF  }
0x71: {  	[sflag:s0] =	ssyncadd.tile.s32 @!p0 $0x1;
	_ =	shalt  }
.Lfunc_end2:
_tile_overlayer_lowered:
.L_overlay_start_2:
0x72: {  	(tag) =	ssettag $0x2  }
0x73: {  	s0 =	rddreg [dreg:$0x0];
	s2 =	stileid.u32  }
0x74: {  	s1 =	rddreg [dreg:$0x1];
	p0 =	sne.s32 s2, $0x0  }
0x75: {  	s3 =	rddreg [dreg:$0x2];
	[bflag:$0x3] =	sbarrier.arrive $0xFFFF;
	s2 =	simm.s32 @!p0 $0x1C02  }
0x76: {  	[timem:s3], [sflag:s2] =	dma.local @!p0 [hbm:s0], s1  }
0x77: {  	s0 =	simm.s32 @!p0 $0x2  }
0x78: {  	_ =	swait.ge @!p0 [sflag:s0], s1  }
0x79: {  	s1 =	ssub.s32 @!p0 $0x0, s1;
	[sflag:s0] =	ssyncset.done @!p0 $0x0  }
0x7a: {  	[sflag:s0] =	ssyncadd.s32 @!p0 s1  }
0x7b: {  	[bflag:$0x3] =	sbarrier.arrive $0xFFFF  }
0x7c: {  	_ =	shalt  }

// kernel: kernel.19.cloned.1.call-start
scs
__scs_entry_jumppad:
0x0: {  	(pc) =	sbr.rel $0x88, $3  }
0x1: {  	(tag) =	ssettag $0x0;
	lr =	simm.s32 $0x1  }
0x2: {  	[smem:$0x3F98] =	sst lr;
	_ =	strace $0xD0000000  }
0x3: {  	_ = 	snop  }
0x4: {  	_ = 	snop  }
0x5: {  	_ = 	snop  }
0x6: {  	_ = 	snop  }
0x7: {  	_ = 	snop  }
__scs_overlays_trampoline_lowered:
0x8: {  	[smem:$0x3FA7] =	sst s0  }
0x9: {  	[smem:$0x3FA8] =	sst s1  }
0xa: {  	[smem:$0x3FA9] =	sst s2  }
0xb: {  	[smem:$0x3FAA] =	sst s3  }
0xc: {  	[smem:$0x3FAB] =	sst s4  }
0xd: {  	[smem:$0x3FAC] =	sst s5  }
0xe: {  	[smem:$0x3FAD] =	sst s6  }
0xf: {  	[smem:$0x3FAE] =	sst s7  }
0x10: {  	[smem:$0x3FAF] =	sst s8  }
0x11: {  	[smem:$0x3FB0] =	sst s9;
	s0 =	simm.s32 @!p0 $0x0  }
0x12: {  	s1 =	sld [smem:$0x3F96];
	s0 =	simm.s32 @p0 $0x1  }
0x13: {  	[smem:$0x3FB1] =	sst s0;
	s0 =	simm.s32 @!p1 $0x0  }
0x14: {  	s2 =	sld [smem:$0x3F95];
	s0 =	simm.s32 @p1 $0x1  }
0x15: {  	[smem:$0x3FB2] =	sst s0;
	s0 =	simm.s32 @!p2 $0x0  }
0x16: {  	s3 =	sld [smem:$0x3FDB];
	s0 =	simm.s32 @p2 $0x1  }
0x17: {  	s4 =	simm.s32 $0x1BF5;
	[smem:$0x3FB4] =	sst s0  }
0x18: {  	s0 =	sld [smem:$0x3F97];
	_ =	swait.ge [sflag:s4], $0x0  }
0x19: {  	s7 =	sld [smem:$0x3F98]  }
0x1a: {  	s8 =	sadd.s32 $0xFFFFE003, lr  }
0x1b: {  	s9 =	sadd.s32 $0xFFFFFEF7, lr;
	s5 =	simm.s32 $0xFFFFFFFF;
	p2 =	slt.u32 s8, $0xFFFFF086  }
0x1c: {  	p1 =	slt.u32 s9, $0xF7A;
	s5 =	simm.s32 @!p2 $0x0  }
0x1d: {  	s5 =	simm.s32 @p1 $0x1;
	p0 =	seq.s32 s7, s2  }
0x1e: {  	s7 =	smul.u32 @!p0 $0xF7A, s2;
	p2 =	seq.s32 @!p0 s5, $0x0  }
0x1f: {  	s9 =	smul.u32 $0xF7A, s1;
	s8 =	simm.s32 @!p0 $0x1BF5;
	p2 =	por !p2, p0  }
0x20: {  	[sflag:s8] =	ssyncset.s32 @!p0 $0xFFFFF086;
	s6 =	sadd.s32 @!p0 s3, s7;
	s7 =	simm.s32 @!p0 $0x108  }
0x21: {  	s3 =	sadd.s32 s3, s9;
	s6 =	sadd.s32 @!p0 $0x88, s6;
	s7 =	simm.s32 @p2 $0x1082  }
0x22: {  	[simem:s7], [sflag:s8] =	dma.local @!p0 [hbm:s6], $0xF7A  }
0x23: {  	s9 =	sor.u32 $0xD0000000, s2;
	s6 =	simm.s32 $0x108;
	_ =	swait.ge @!p0 [sflag:s8], $0x0  }
0x24: {  	s3 =	sadd.s32 $0x88, s3;
	s6 =	simm.s32 @!p1 $0x1082;
	[sflag:s4] =	ssyncset.s32 $0xFFFFF086  }
0x25: {  	[simem:s6], [sflag:s4] =	dma.local [hbm:s3], $0xF7A  }
0x26: {  	[smem:$0x3F98] =	sst s1;
	(tag) =	ssettag s2;
	_ =	strace s9  }
0x27: {  	s1 =	sld [smem:$0x3FA8]  }
0x28: {  	s2 =	sld [smem:$0x3FA9]  }
0x29: {  	s4 =	sld [smem:$0x3FAB]  }
0x2a: {  	p0 =	seq.s32 s5, $0x0;
	s5 =	sld [smem:$0x3FAC]  }
0x2b: {  	s6 =	sld [smem:$0x3FAD]  }
0x2c: {  	s7 =	sld [smem:$0x3FAE]  }
0x2d: {  	s3 =	simm.s32 $0x108;
	s8 =	sld [smem:$0x3FAF]  }
0x2e: {  	s3 =	simm.s32 @!p0 $0x1082;
	s9 =	sld [smem:$0x3FB0]  }
0x2f: {  	lr =	sadd.s32 s0, s3;
	s0 =	sld [smem:$0x3FA7]  }
0x30: {  	s3 =	sld [smem:$0x3FAA]  }
0x31: {  	[smem:$0x3FB3] =	sst s10  }
0x32: {  	s10 =	sld [smem:$0x3FB1];
	_ =	sdelay $0x3  }
0x33: {  	p0 =	seq.s32 s10, $0x1;
	s10 =	sld [smem:$0x3FB3];
	_ =	sdelay $0x3  }
0x34: {  	[smem:$0x3FB3] =	sst s10  }
0x35: {  	s10 =	sld [smem:$0x3FB2];
	_ =	sdelay $0x3  }
0x36: {  	p1 =	seq.s32 s10, $0x1;
	s10 =	sld [smem:$0x3FB3];
	_ =	sdelay $0x3  }
0x37: {  	[smem:$0x3FB3] =	sst s10  }
0x38: {  	s10 =	sld [smem:$0x3FB4]  }
0x39: {  	_ = 	snop;
	(pc) =	sbr.ind lr, $3  }
0x3a: {  	_ = 	snop  }
0x3b: {  	_ = 	snop  }
0x3c: {  	p2 =	seq.s32 s10, $0x1;
	s10 =	sld [smem:$0x3FB3]  }
0x3d: {  	_ =	shalt  }
0x3e: {  	_ =	shalt  }
0x3f: {  	_ =	shalt  }
0x40: {  	_ =	shalt  }
0x41: {  	_ =	shalt  }
0x42: {  	_ =	shalt  }
0x43: {  	_ =	shalt  }
0x44: {  	_ =	shalt  }
0x45: {  	_ =	shalt  }
0x46: {  	_ =	shalt  }
0x47: {  	_ =	shalt  }
0x48: {  	_ =	shalt  }
0x49: {  	_ =	shalt  }
0x4a: {  	_ =	shalt  }
0x4b: {  	_ =	shalt  }
0x4c: {  	_ =	shalt  }
0x4d: {  	_ =	shalt  }
0x4e: {  	_ =	shalt  }
0x4f: {  	_ =	shalt  }
0x50: {  	_ =	shalt  }
0x51: {  	_ =	shalt  }
0x52: {  	_ =	shalt  }
0x53: {  	_ =	shalt  }
0x54: {  	_ =	shalt  }
0x55: {  	_ =	shalt  }
0x56: {  	_ =	shalt  }
0x57: {  	_ =	shalt  }
0x58: {  	_ =	shalt  }
0x59: {  	_ =	shalt  }
0x5a: {  	_ =	shalt  }
0x5b: {  	_ =	shalt  }
0x5c: {  	_ =	shalt  }
0x5d: {  	_ =	shalt  }
0x5e: {  	_ =	shalt  }
0x5f: {  	_ =	shalt  }
0x60: {  	_ =	shalt  }
0x61: {  	_ =	shalt  }
0x62: {  	_ =	shalt  }
0x63: {  	_ =	shalt  }
0x64: {  	_ =	shalt  }
0x65: {  	_ =	shalt  }
0x66: {  	_ =	shalt  }
0x67: {  	_ =	shalt  }
0x68: {  	_ =	shalt  }
0x69: {  	_ =	shalt  }
0x6a: {  	_ =	shalt  }
0x6b: {  	_ =	shalt  }
0x6c: {  	_ =	shalt  }
0x6d: {  	_ =	shalt  }
0x6e: {  	_ =	shalt  }
0x6f: {  	_ =	shalt  }
0x70: {  	_ =	shalt  }
0x71: {  	_ =	shalt  }
0x72: {  	_ =	shalt  }
0x73: {  	_ =	shalt  }
0x74: {  	_ =	shalt  }
0x75: {  	_ =	shalt  }
0x76: {  	_ =	shalt  }
0x77: {  	_ =	shalt  }
0x78: {  	_ =	shalt  }
0x79: {  	_ =	shalt  }
0x7a: {  	_ =	shalt  }
0x7b: {  	_ =	shalt  }
0x7c: {  	_ =	shalt  }
0x7d: {  	_ =	shalt  }
0x7e: {  	_ =	shalt  }
0x7f: {  	_ =	shalt  }
0x80: {  	_ =	shalt  }
0x81: {  	_ =	shalt  }
0x82: {  	_ =	shalt  }
0x83: {  	_ =	shalt  }
0x84: {  	_ =	shalt  }
0x85: {  	_ =	shalt  }
0x86: {  	_ =	shalt  }
0x87: {  	_ =	shalt  }
.Lfunc_end0:
.L_simem_size_0:
called_computation.3_lowered:
.L_overlay_start_0:
0x88: {  	s2 =	sld [smem:$0x3FD9]  }
0x89: {  	s3 =	sld [smem:$0x3FFE];
	_ =	sdelay $0x1  }
0x8a: {  	s1 =	srdreg.scid  }
0x8b: {  	s0 =	sand.u32 $0x1, s1  }
0x8c: {  	s17 =	sshll.u32 s0, $0xA;
	s2 =	sadd.s32 s3, s2  }
0x8d: {  	s2 =	sadd.s32 s2, s17  }
0x8e: {  	[smem:$0x3FBF] =	sst s2  }
0x8f: {  	_ = 	snop  }
0x90: {  	s2 =	sld [smem:$0x3FD0];
	(tm) =	ssettm $0x1  }
0x91: {  	s18 =	sld [smem:$0x3FFB];
	_ =	sdelay $0x3  }
0x92: {  	_ =	strace s18  }
0x93: {  	s3 =	sld [smem:$0x3FFC];
	_ =	sdelay $0x3  }
0x94: {  	_ =	strace s3  }
0x95: {  	s3 =	sld [smem:$0x3FFD];
	_ =	sdelay $0x3  }
0x96: {  	_ =	strace s3  }
0x97: {  	_ =	strace $0x8FFFFFFF  }
0x98: {  	s19 =	sld [smem:$0x3FDB];
	_ =	sdelay $0x1  }
0x99: {  	s4 =	simm.s32 $_scs_section_size  }
0x9a: {  	s5 =	simm.s32 $_size__tile_overlayer_lowered;
	s6 =	simm.s32 $_tile_overlayer_lowered  }
0x9b: {  	s22 =	simm.s32 $0x1BFF;
	s21 =	sshll.u32 s6, $0x1;
	s3 =	sadd.s32 s4, s19  }
0x9c: {  	s7 =	simm.s32 $0x0;
	s20 =	sshll.u32 s5, $0x1;
	s5 =	sadd.s32 s21, s3  }
0x9d: {  	[timem:s7], [sflag:s22] =	dma.local [hbm:s5], s20  }
0x9e: {  	_ =	swait.ge [sflag:s22], s20  }
0x9f: {  	s4 =	ssub.s32 $0x0, s20;
	[sflag:s22] =	ssyncset.done $0x0  }
0xa0: {  	[sflag:s22] =	ssyncadd.s32 s4;
	_ =	sdelay $0x1  }
0xa1: {  	s23 =	simm.s32 $0x1B8B  }
0xa2: {  	_ =	swait.ge [sflag:s23], $0x1  }
0xa3: {  	[sflag:s23] =	ssyncset.done $0x0  }
0xa4: {  	s25 =	simm.s32 $0x1B8E;
	s24 =	sld [smem:$0x3FFE];
	[sflag:s23] =	ssyncadd.s32 $0xFFFFFFFF  }
0xa5: {  	s26 =	simm.s32 $execute0_lowered;
	[smem:$0x3FD2] =	sst s25  }
0xa6: {  	s5 =	sshll.u32 s26, $0x1;
	_ =	strace $0x8000004F;
	[dreg:$0x1] =	wrdreg $0xFFFFFFFF  }
0xa7: {  	s28 =	simm.s32 $_size_execute0_lowered;
	s3 =	sadd.s32 s3, s5;
	[dreg:$0x0] =	wrdreg $0x0  }
0xa8: {  	s5 =	sshll.u32 s28, $0x1;
	[dreg:$0x2] =	wrdreg s3  }
0xa9: {  	[dreg:$0x3] =	wrdreg s5  }
0xaa: {  	[dreg:$0x4] =	wrdreg $0xC0  }
0xab: {  	_ =	task [dreg:s7], $0x5FFFF  }
0xac: {  	[dreg:$0x1] =	wrdreg $0xFFFFFFFF  }
0xad: {  	[dreg:$0x0] =	wrdreg $0x60  }
0xae: {  	[dreg:$0x2] =	wrdreg s2  }
0xaf: {  	[dreg:$0x3] =	wrdreg s24  }
0xb0: {  	[dreg:$0x4] =	wrdreg $0x69000  }
0xb1: {  	[dreg:$0x5] =	wrdreg $0x9  }
0xb2: {  	_ =	task.clear_ibuf [dreg:s7], $0x6FFFF;
	_ =	strace $0x9000004F  }
0xb3: {  	s29 =	simm.s32 $0x9;
	_ =	strace $0x80000051  }
0xb4: {  	_ =	swait.ge [sflag:s29], $0x1  }
0xb5: {  	[sflag:s29] =	ssyncadd.s32 $0xFFFFFFFF  }
0xb6: {  	_ =	strace $0x90000051  }
0xb7: {  	_ =	sfence  }
0xb8: {  	s30 =	sld [smem:$0x0];
	_ =	sdelay $0x2  }
0xb9: {  	s31 =	sshll.u32 s1, $0xD;
	s1 =	sshrl.u32 s1, $0x2  }
0xba: {  	s3 =	sand.u32 $0x4000, s31;
	s1 =	sadd.s32 s1, s30  }
0xbb: {  	s0 =	sor.u32 s3, s0;
	s1 =	sshll.u32 s1, $0x11  }
0xbc: {  	s0 =	sor.u32 s1, s0  }
0xbd: {  	s0 =	sadd.s32 $0x8F2B, s0  }
0xbe: {  	[sflag:s0] =	ssyncadd.remote.s32 $0x1  }
0xbf: {  	_ =	sfence.sel $0xFFFF  }
0xc0: {  	[dreg:$0x0] =	wrdreg $0xFFFFFFFF;
	(pc) =	sbr.abs _section_cstart, $3  }
0xc1: {  	[dreg:$0x1] =	wrdreg $0xFFFFFFFF  }
0xc2: {  	_ =	task.clear_ibuf [dreg:s7], $0x2FFFF;
	_ =	strace $0x9FFFFFFF  }
0xc3: {  	(tm) =	ssettm $0x7FFFFFFF  }
tec
execute0_lowered:
.L_overlay_start_1:
0x0: {  	(tag) =	ssettag $0x1  }
0x1: {  	s1 =	rddreg [dreg:$0x0]  }
0x2: {  	s2 =	srdreg.scid;
	s5 =	rddreg [dreg:$0x1]  }
0x3: {  	s0 =	stileid.u32;
	s3 =	rddreg [dreg:$0x2]  }
0x4: {  	s4 =	simm.s32 $0x0;
	s14 =	simm.s32 $0x2900;
	s15 =	simm.s32 $0x2  }
0x5: {  	s16 =	simm.s32 $0x80;
	s17 =	simm.s32 $0x50;
	s7 =	smul.u32 $0x4E20, s0  }
0x6: {  	s18 =	simm.s32 $0x100;
	s19 =	simm.s32 $0x1;
	s26 =	smul.u32 $0x14000, s0  }
0x7: {  	s6 =	sand.u32 $0x1, s2;
	s2 =	rddreg [dreg:$0x3];
	s10 =	smul.u32 $0x50000, s0  }
0x8: {  	s22 =	simm.s32 $0x0;
	[smem:$0x7FF] =	sst s4;
	s8 =	smul.u32 $0x2710, s6  }
0x9: {  	s20 =	sshll.u32 s0, $0x6;
	s9 =	smul.u32 $0x140000, s6;
	_ =	strace $0x80000050  }
0xa: {  	s6 =	ssub.s32 $0x2, s6;
	s20 =	sor.u32 $0x1C02, s20;
	s7 =	sadd.s32 s8, s7  }
0xb: {  	s29 =	sshrl.u32 s6, $0x1;
	s28 =	sadd.s32 s26, s9;
	s7 =	sshrl.u32 s7, $0x3  }
0xc: {  	s11 =	ssub.s32 s6, s29;
	s13 =	sadd.s32 s7, s5;
	s7 =	sshrl.u32 s28, $0x3  }
0xd: {  	s30 =	sshrl.u32 s10, $0x2;
	s11 =	smax.u32 s11, $0x1;
	s31 =	sadd.s32 s7, s5  }
0xe: {  	s5 =	sadd.s32 s30, s3;
	s12 =	sadd.s32 $0xCA00, s13;
	s13 =	sadd.s32 $0x2C00, s13  }
0xf: {  	s6 =	sadd.s32 $0x4000, s5;
	s7 =	sadd.s32 $0x8000, s5;
	s8 =	sadd.s32 $0xC000, s5  }
0x10: {  	v0 =	vimm.f32 $0.0e+00;
	s9 =	sadd.s32 $0x10000, s5;
	s10 =	sadd.s32 $0x16800, s31;
	s21 =	sshrl.u32 s5, $0x3  }
.LBB2_1:
0x11: {  	s23 =	simm.s32 $0x0;
	s24 =	simm.s32 $0x200  }
.LBB2_2:
0x12: {  	p0 =	sne.s32 s24, $0xFE00;
	[tilespmem:s23+$0x2970] =	vst v0  }
0x13: {  	[tilespmem:s23+$0x2900] =	vst v0  }
0x14: {  	[tilespmem:s23+$0x2910] =	vst v0  }
.Ltmp0:
0x15: {  	[tilespmem:s23+$0x2920] =	vst v0;
	(pc) =	sbr.rel @p0 .LBB2_2-.Ltmp0, $4  }
0x16: {  	[tilespmem:s23+$0x2930] =	vst v0  }
0x17: {  	[tilespmem:s23+$0x2940] =	vst v0  }
0x18: {  	[tilespmem:s23+$0x2950] =	vst v0  }
0x19: {  	[tilespmem:s23+$0x2960] =	vst v0;
	s23 =	sshra.s32 s24, $0x2;
	s24 =	sadd.s32 $0x200, s24  }
0x1a: {  	[tilespmem:s23+$0x2970] =	vst v0  }
0x1b: {  	[tilespmem:s23+$0x2900] =	vst v0  }
0x1c: {  	[tilespmem:s23+$0x2910] =	vst v0  }
0x1d: {  	[tilespmem:s23+$0x2920] =	vst v0  }
0x1e: {  	[tilespmem:s23+$0x2930] =	vst v0  }
0x1f: {  	[tilespmem:s23+$0x2940] =	vst v0  }
0x20: {  	[tilespmem:s23+$0x2950] =	vst v0  }
0x21: {  	[tilespmem:s23+$0x2960] =	vst v0  }
0x22: {  	[spmem:s5] =	stream.linear.scatter [tilespmem:s14], [sflag:$0x2], $0x4000, $0x38;
	[tilespmem:$0x1A900] =	vst v63  }
0x23: {  	_ =	swait.ge [sflag:s15], $0x4000  }
0x24: {  	[sflag:s15] =	ssyncset.done $0x0  }
0x25: {  	[sflag:s15] =	ssyncadd.s32 $0xFFFFC000  }
0x26: {  	[spmem:s6] =	stream.linear.scatter [tilespmem:s14], [sflag:$0x2], $0x4000, $0x38;
	[tilespmem:$0x1A900] =	vst v63  }
0x27: {  	_ =	swait.ge [sflag:s15], $0x4000  }
0x28: {  	[sflag:s15] =	ssyncset.done $0x0  }
0x29: {  	[sflag:s15] =	ssyncadd.s32 $0xFFFFC000  }
0x2a: {  	[spmem:s7] =	stream.linear.scatter [tilespmem:s14], [sflag:$0x2], $0x4000, $0x38;
	[tilespmem:$0x1A900] =	vst v63  }
0x2b: {  	_ =	swait.ge [sflag:s15], $0x4000  }
0x2c: {  	[sflag:s15] =	ssyncset.done $0x0  }
0x2d: {  	[sflag:s15] =	ssyncadd.s32 $0xFFFFC000  }
0x2e: {  	[spmem:s8] =	stream.linear.scatter [tilespmem:s14], [sflag:$0x2], $0x4000, $0x38;
	[tilespmem:$0x1A900] =	vst v63  }
0x2f: {  	_ =	swait.ge [sflag:s15], $0x4000  }
0x30: {  	[sflag:s15] =	ssyncset.done $0x0  }
0x31: {  	[sflag:s15] =	ssyncadd.s32 $0xFFFFC000  }
0x32: {  	[spmem:s9] =	stream.linear.scatter [tilespmem:s14], [sflag:$0x2], $0x4000, $0x38;
	[tilespmem:$0x1A900] =	vst v63  }
0x33: {  	_ =	swait.ge [sflag:s15], $0x4000  }
0x34: {  	[sflag:s15] =	ssyncset.done $0x0  }
0x35: {  	[sflag:s15] =	ssyncadd.s32 $0xFFFFC000  }
0x36: {  	s30 =	sadd.s32 $0x0, s13;
	[bflag:$0x0] =	sbarrier.arrive $0xFFFF  }
0x37: {  	[tilespmem:s4], [sflag:$0x2] =	stream.linear.gather [hbm4b:s30+s4], $0x50, $0x38;
	[tilespmem:$0x1A900] =	vst v63  }
0x38: {  	_ =	swait.ge [sflag:s15], $0x50  }
0x39: {  	[sflag:s15] =	ssyncset.done $0x0  }
0x3a: {  	s31 =	sadd.s32 $0x0, s12;
	[sflag:s15] =	ssyncadd.s32 $0xFFFFFFB0  }
0x3b: {  	[tilespmem:s16], [sflag:$0x2] =	stream.linear.gather [hbm4b:s31+s4], $0x50, $0x38;
	[tilespmem:$0x1A900] =	vst v63  }
0x3c: {  	_ =	swait.ge [sflag:s15], $0x50  }
0x3d: {  	[sflag:s15] =	ssyncset.done $0x0  }
0x3e: {  	[sflag:s15] =	ssyncadd.s32 $0xFFFFFFB0  }
0x3f: {  	[tilespmem:s18], [sflag:$0x1] =	stream.indirect.gather [hbm4b:s1+s17], $0x80, s4, s17, $0xb8;
	[tilespmem:$0x1A900] =	vst v63  }
0x40: {  	_ =	swait.ge [sflag:s19], $0x2800  }
0x41: {  	[sflag:s19] =	ssyncset.done $0x0  }
0x42: {  	[sflag:s19] =	ssyncadd.s32 $0xFFFFD800  }
0x43: {  	[spmem:s3] =	stream.indirect.scatter.add.f32 [tilespmem:s18], [sflag:$0x2], $0x80, s16, s17, $0xb8;
	[tilespmem:$0x1A900] =	vst v63  }
0x44: {  	_ =	swait.ge [sflag:s15], $0x2800  }
0x45: {  	s23 =	simm.s32 $0xA;
	s24 =	simm.s32 $0x14;
	[sflag:s15] =	ssyncset.done $0x0  }
.LBB2_4:
0x46: {  	s25 =	sadd.s32 s23, s13  }
0x47: {  	[sflag:s15] =	ssyncadd.s32 $0xFFFFD800;
	s26 =	smov.u32 s24;
	s28 =	sadd.s32 $0xA, s24  }
0x48: {  	[tilespmem:s4], [sflag:$0x2] =	stream.linear.gather [hbm4b:s25+s4], $0x50, $0x38;
	[tilespmem:$0x1A900] =	vst v63  }
0x49: {  	p0 =	sne.s32 s24, $0x4D8;
	_ =	swait.ge [sflag:s15], $0x50  }
0x4a: {  	[sflag:s15] =	ssyncset.done $0x0  }
0x4b: {  	s24 =	sadd.s32 s23, s12;
	s23 =	smov.u32 s26;
	[sflag:s15] =	ssyncadd.s32 $0xFFFFFFB0  }
0x4c: {  	[tilespmem:s16], [sflag:$0x2] =	stream.linear.gather [hbm4b:s24+s4], $0x50, $0x38;
	[tilespmem:$0x1A900] =	vst v63  }
0x4d: {  	_ =	swait.ge [sflag:s15], $0x50  }
0x4e: {  	[sflag:s15] =	ssyncset.done $0x0  }
0x4f: {  	[sflag:s15] =	ssyncadd.s32 $0xFFFFFFB0  }
0x50: {  	[tilespmem:s18], [sflag:$0x1] =	stream.indirect.gather [hbm4b:s1+s17], $0x80, s4, s17, $0xb8;
	[tilespmem:$0x1A900] =	vst v63  }
0x51: {  	_ =	swait.ge [sflag:s19], $0x2800  }
.Ltmp1:
0x52: {  	[sflag:s19] =	ssyncset.done $0x0;
	(pc) =	sbr.rel @p0 .LBB2_4-.Ltmp1, $4  }
0x53: {  	[sflag:s19] =	ssyncadd.s32 $0xFFFFD800  }
0x54: {  	[spmem:s3] =	stream.indirect.scatter.add.f32 [tilespmem:s18], [sflag:$0x2], $0x80, s16, s17, $0xb8;
	[tilespmem:$0x1A900] =	vst v63  }
0x55: {  	_ =	swait.ge [sflag:s15], $0x2800  }
0x56: {  	s24 =	smov.u32 s28;
	[sflag:s15] =	ssyncset.done $0x0  }
0x57: {  	s24 =	sadd.s32 s23, s13;
	[sflag:s15] =	ssyncadd.s32 $0xFFFFD800  }
0x58: {  	[tilespmem:s4], [sflag:$0x2] =	stream.linear.gather [hbm4b:s24+s4], $0x50, $0x38;
	[tilespmem:$0x1A900] =	vst v63  }
0x59: {  	_ =	swait.ge [sflag:s15], $0x50  }
0x5a: {  	[sflag:s15] =	ssyncset.done $0x0  }
0x5b: {  	s31 =	sadd.s32 s23, s12;
	[sflag:s15] =	ssyncadd.s32 $0xFFFFFFB0  }
0x5c: {  	[tilespmem:s16], [sflag:$0x2] =	stream.linear.gather [hbm4b:s31+s4], $0x50, $0x38;
	[tilespmem:$0x1A900] =	vst v63  }
0x5d: {  	_ =	swait.ge [sflag:s15], $0x50  }
0x5e: {  	[sflag:s15] =	ssyncset.done $0x0  }
0x5f: {  	[sflag:s15] =	ssyncadd.s32 $0xFFFFFFB0  }
0x60: {  	[tilespmem:s18], [sflag:$0x1] =	stream.indirect.gather [hbm4b:s1+s17], $0x80, s4, s17, $0xb8;
	[tilespmem:$0x1A900] =	vst v63  }
0x61: {  	_ =	swait.ge [sflag:s19], $0x2800  }
0x62: {  	[sflag:s19] =	ssyncset.done $0x0  }
0x63: {  	[sflag:s19] =	ssyncadd.s32 $0xFFFFD800  }
0x64: {  	[spmem:s3] =	stream.indirect.scatter.add.f32 [tilespmem:s18], [sflag:$0x2], $0x80, s16, s17, $0xb8;
	[tilespmem:$0x1A900] =	vst v63  }
0x65: {  	_ =	swait.ge [sflag:s15], $0x2800  }
0x66: {  	s22 =	sadd.s32 $0x1, s22;
	[sflag:s15] =	ssyncset.done $0x0  }
0x67: {  	p0 =	sne.s32 s22, s11;
	[sflag:s15] =	ssyncadd.s32 $0xFFFFD800  }
.Ltmp2:
0x68: {  	[bflag:$0x0] =	sbarrier.arrive $0xFFFF;
	(pc) =	sbr.rel @p0 .LBB2_1-.Ltmp2, $4  }
0x69: {  	[hbm:s10], [sflag:s20] =	dma.local [spmem:s21], $0x2800  }
0x6a: {  	_ =	swait.ge [sflag:s15], $0x2800  }
0x6b: {  	[sflag:s15] =	ssyncset.done $0x0  }
0x6c: {  	[sflag:s15] =	ssyncadd.s32 $0xFFFFD800  }
0x6d: {  	_ =	sfence.sel $0x180000  }
0x6e: {  	[bflag:$0x0] =	sbarrier.arrive $0xFFFF  }
0x6f: {  	p0 =	sne.s32 s0, $0x0;
	_ =	strace $0x90000050  }
0x70: {  	s0 =	sadd.s32 @!p0 $0x100000, s2;
	[bflag:$0x2] =	sbarrier.arrive $0xFFFF  }
0x71: {  	[sflag:s0] =	ssyncadd.tile.s32 @!p0 $0x1;
	_ =	shalt  }
.Lfunc_end2:
_tile_overlayer_lowered:
.L_overlay_start_2:
0x72: {  	(tag) =	ssettag $0x2  }
0x73: {  	s0 =	rddreg [dreg:$0x0];
	s2 =	stileid.u32  }
0x74: {  	s1 =	rddreg [dreg:$0x1];
	p0 =	sne.s32 s2, $0x0  }
0x75: {  	s3 =	rddreg [dreg:$0x2];
	[bflag:$0x3] =	sbarrier.arrive $0xFFFF;
	s2 =	simm.s32 @!p0 $0x1C02  }
0x76: {  	[timem:s3], [sflag:s2] =	dma.local @!p0 [hbm:s0], s1  }
0x77: {  	s0 =	simm.s32 @!p0 $0x2  }
0x78: {  	_ =	swait.ge @!p0 [sflag:s0], s1  }
0x79: {  	s1 =	ssub.s32 @!p0 $0x0, s1;
	[sflag:s0] =	ssyncset.done @!p0 $0x0  }
0x7a: {  	[sflag:s0] =	ssyncadd.s32 @!p0 s1  }
0x7b: {  	[bflag:$0x3] =	sbarrier.arrive $0xFFFF  }
0x7c: {  	_ =	shalt  }

</sc_bundles>
